<compile_context>
chip_gen: v7x
topology: tpu7x:2x2x1
jax: 0.10.2.dev20260603
libtpu: 0.0.44.dev20260713+nightly
codegen_flags: <defaults>
</compile_context>

<pallas_src>
import functools

import jax
import jax.numpy as jnp
from jax import lax
from jax.experimental import pallas as pl
from jax.experimental.pallas import tpu as pltpu
from jax.experimental.pallas import tpu_sc as plsc

_N = 10000
_E = 320000
_D = 128
_R = 32
_TD = 768
_B = 4096

_NC, _NS = 2, 16
_NW = _NC * _NS
_CH = 64
_CPW = 160
_EPW = _CPW * _CH
_EP = _NW * _EPW
_CPW0 = 272
_CPW1 = 2 * _CPW - _CPW0
_SLABMAX = 17
_NP = 10240
_NPR = _NP * _R
_RPT = _NP // _NS
_CPT = _NPR // _NS
_ZC = 1280
_SLAB = 16


def _sc_body(x_hbm, src_hbm, dst_hbm, cidx_hbm, s_out, c_out,
             idx_s, idx_d, idx_c, rows0, rows1,
             ones, zcnt, gsem0, gsem1, ssem0, ssem1, csem, s_acc, c_acc):
    c = lax.axis_index("core")
    s = lax.axis_index("subcore")
    w = c * _NS + s
    rows = (rows0, rows1)
    gsem = (gsem0, gsem1)
    ssem = (ssem0, ssem1)

    z16 = jnp.zeros((16,), jnp.float32)
    one16 = jnp.ones((16,), jnp.float32)

    @pl.loop(0, _CH)
    def _(r):
        @pl.loop(0, _D, step=16)
        def _(l):
            rows0.at[r, pl.ds(l, 16)][...] = z16

    @pl.loop(0, _ZC, step=16)
    def _(i):
        zcnt.at[pl.ds(i, 16)][...] = z16

    @pl.loop(0, _CH, step=16)
    def _(i):
        ones.at[pl.ds(i, 16)][...] = one16

    @pl.loop(0, _RPT, step=_CH)
    def _(r):
        pltpu.sync_copy(rows0, s_acc.at[pl.ds(s * _RPT + r, _CH)])

    @pl.loop(0, _CPT, step=_ZC)
    def _(i):
        pltpu.sync_copy(zcnt, c_acc.at[pl.ds(s * _CPT + i, _ZC)])

    plsc.subcore_barrier()

    nslab = lax.select(c == 0, _CPW0 // _SLAB, _CPW1 // _SLAB)
    base0 = lax.select(c == 0, s * _CPW0, _NS * _CPW0 + s * _CPW1)

    @pl.loop(0, _SLABMAX)
    def _(sl):
      @pl.when(sl < nslab)
      def _():
        base = base0 + sl * _SLAB
        pltpu.sync_copy(src_hbm.at[pl.ds(base, _SLAB)], idx_s)
        pltpu.sync_copy(dst_hbm.at[pl.ds(base, _SLAB)], idx_d)
        pltpu.sync_copy(cidx_hbm.at[pl.ds(base, _SLAB)], idx_c)

        pltpu.async_copy(x_hbm.at[idx_s.at[0]], rows[0], gsem[0])

        @pl.loop(0, _SLAB, step=2)
        def _(k):
            for b in range(2):
                j = k + b
                nb = (b + 1) % 2
                pltpu.make_async_copy(x_hbm.at[idx_s.at[j]], rows[b], gsem[b]).wait()

                @pl.when(j >= 1)
                def _():
                    pltpu.make_async_copy(rows[nb], s_acc.at[idx_d.at[j - 1]],
                                          ssem[nb]).wait()

                @pl.when(j + 1 < _SLAB)
                def _():
                    pltpu.async_copy(x_hbm.at[idx_s.at[j + 1]], rows[nb], gsem[nb])

                pltpu.async_copy(rows[b], s_acc.at[idx_d.at[j]], ssem[b], add=True)
                pltpu.async_copy(ones, c_acc.at[idx_c.at[j]], csem, add=True)

        pltpu.make_async_copy(rows[1], s_acc.at[idx_d.at[_SLAB - 1]], ssem[1]).wait()

        @pl.loop(0, _SLAB)
        def _(j):
            pltpu.make_async_copy(ones, c_acc.at[idx_c.at[j]], csem).wait()

    plsc.subcore_barrier()

    pltpu.sync_copy(s_acc.at[pl.ds(s * _RPT, _RPT)],
                    s_out.at[c].at[pl.ds(s * _RPT, _RPT)])
    pltpu.sync_copy(c_acc.at[pl.ds(s * _CPT, _CPT)],
                    c_out.at[c].at[pl.ds(s * _CPT, _CPT)])


@functools.cache
def _sc_scatter():
  return pl.kernel(
    _sc_body,
    out_type=(jax.ShapeDtypeStruct((_NC, _NP, _D), jnp.float32),
              jax.ShapeDtypeStruct((_NC, _NPR), jnp.float32)),
    mesh=plsc.VectorSubcoreMesh(core_axis_name="core", subcore_axis_name="subcore",
                                num_cores=_NC, num_subcores=_NS),
    scratch_types=[
        pltpu.VMEM((_SLAB, _CH), jnp.int32),
        pltpu.VMEM((_SLAB, _CH), jnp.int32),
        pltpu.VMEM((_SLAB, _CH), jnp.int32),
        pltpu.VMEM((_CH, _D), jnp.float32),
        pltpu.VMEM((_CH, _D), jnp.float32),
        pltpu.VMEM((_CH,), jnp.float32),
        pltpu.VMEM((_ZC,), jnp.float32),
        pltpu.SemaphoreType.DMA,
        pltpu.SemaphoreType.DMA,
        pltpu.SemaphoreType.DMA,
        pltpu.SemaphoreType.DMA,
        pltpu.SemaphoreType.DMA,
        pltpu.VMEM_SHARED((_NP, _D), jnp.float32),
        pltpu.VMEM_SHARED((_NPR,), jnp.float32),
    ],
  )


_GBLK = 2000


def _gnn_body(s_ref, c_ref, x_ref, rel_ref, w_ref, wself_ref, o_ref):
    S = s_ref[0] + s_ref[1]
    C = c_ref[0] + c_ref[1]
    deg = jnp.sum(C, axis=1, keepdims=True)
    relsum = jnp.dot(C, rel_ref[...], precision=lax.Precision.HIGHEST)
    agg = jnp.dot(S - relsum, w_ref[...], precision=lax.Precision.HIGHEST)
    agg = agg / jnp.maximum(deg, 1.0)
    self_t = jnp.dot(x_ref[...], wself_ref[...], precision=lax.Precision.HIGHEST)
    o_ref[...] = jnp.tanh(agg + self_t)


def _gnn_finish(s_parts, c_parts, x, rel_emb, W, W_self):
    return pl.pallas_call(
        _gnn_body,
        grid=(_N // _GBLK,),
        in_specs=[
            pl.BlockSpec((_NC, _GBLK, _D), lambda i: (0, i, 0)),
            pl.BlockSpec((_NC, _GBLK, _R), lambda i: (0, i, 0)),
            pl.BlockSpec((_GBLK, _D), lambda i: (i, 0)),
            pl.BlockSpec((_R, _D), lambda i: (0, 0)),
            pl.BlockSpec((_D, _D), lambda i: (0, 0)),
            pl.BlockSpec((_D, _D), lambda i: (0, 0)),
        ],
        out_specs=pl.BlockSpec((_GBLK, _D), lambda i: (i, 0)),
        out_shape=jax.ShapeDtypeStruct((_N, _D), jnp.float32),
    )(s_parts, c_parts, x, rel_emb, W, W_self)


_TBLK = 512


def _mlp_body(ta_ref, tb_ref, w1_ref, b1_ref, w2_ref, b2_ref, oa_ref, ob_ref):
    w1 = w1_ref[...]
    w2 = w2_ref[...]
    b1 = b1_ref[...]
    b2 = b2_ref[...]
    ha = jnp.maximum(jnp.dot(ta_ref[...], w1, precision=lax.Precision.HIGHEST) + b1, 0.0)
    oa_ref[...] = jnp.dot(ha, w2, precision=lax.Precision.HIGHEST) + b2
    hb = jnp.maximum(jnp.dot(tb_ref[...], w1, precision=lax.Precision.HIGHEST) + b1, 0.0)
    ob_ref[...] = jnp.dot(hb, w2, precision=lax.Precision.HIGHEST) + b2


def _text_mlp(ta, tb, W1, b1, W2, b2):
    return pl.pallas_call(
        _mlp_body,
        grid=(_B // _TBLK,),
        in_specs=[
            pl.BlockSpec((_TBLK, _TD), lambda i: (i, 0)),
            pl.BlockSpec((_TBLK, _TD), lambda i: (i, 0)),
            pl.BlockSpec((_TD, 2 * _D), lambda i: (0, 0)),
            pl.BlockSpec((1, 2 * _D), lambda i: (0, 0)),
            pl.BlockSpec((2 * _D, _D), lambda i: (0, 0)),
            pl.BlockSpec((1, _D), lambda i: (0, 0)),
        ],
        out_specs=[
            pl.BlockSpec((_TBLK, _D), lambda i: (i, 0)),
            pl.BlockSpec((_TBLK, _D), lambda i: (i, 0)),
        ],
        out_shape=[
            jax.ShapeDtypeStruct((_B, _D), jnp.float32),
            jax.ShapeDtypeStruct((_B, _D), jnp.float32),
        ],
    )(ta, tb, W1, b1, W2, b2)


def kernel(x, rel_emb, W, W_self, text_features_ab, text_features_bc,
           W1, b1, W2, b2, edge_index, edge_type):
    src = edge_index[0]
    dst = edge_index[1]
    cidx = dst * _R + edge_type
    pad = _EP - _E
    src_p = jnp.concatenate([src, jnp.zeros((pad,), jnp.int32)])
    dst_p = jnp.concatenate([dst, jnp.full((pad,), _NP - 1, jnp.int32)])
    cidx_p = jnp.concatenate([cidx, jnp.full((pad,), _NPR - 1, jnp.int32)])
    src2 = src_p.reshape(_EP // _CH, _CH)
    dst2 = dst_p.reshape(_EP // _CH, _CH)
    cidx2 = cidx_p.reshape(_EP // _CH, _CH)

    s_parts, c_parts = _sc_scatter()(x, src2, dst2, cidx2)
    c_parts = c_parts.reshape(_NC, _NP, _R)

    proj_ab, proj_bc = _text_mlp(text_features_ab, text_features_bc,
                                 W1, b1.reshape(1, -1), W2, b2.reshape(1, -1))
    node = _gnn_finish(s_parts, c_parts, x, rel_emb, W, W_self)
    return (node, proj_ab, proj_bc)

# --- scband reference (transcript-rebuilt; emitter-appended) ---
"""Pipeline reference for scband-star-ewith-text-projector-28252294873232 (READ-ONLY COPY).

The authoritative reference and input builder live on the scoring server;
editing this copy changes nothing except your own understanding.
"""

import jax, jax.numpy as jnp
import numpy as np

N = 10000      # num entities
E = 320000     # num edges (avg_degree=32)
D = 128        # embedding_dim
R = 32         # num_relation_classes / relation types
TD = 768       # text_dim
B = 4096       # text batch


def setup_inputs(seed: int = 0) -> dict:
    key = jax.random.key(seed)
    ks = jax.random.split(key, 12)
    x = jax.random.normal(ks[0], (N, D), dtype=jnp.float32) * 0.1          # entity embedding table
    rel_emb = jax.random.normal(ks[1], (R, D), dtype=jnp.float32) * 0.1    # relation embeddings
    W = jax.random.normal(ks[2], (D, D), dtype=jnp.float32) / np.sqrt(D)   # message transform
    W_self = jax.random.normal(ks[3], (D, D), dtype=jnp.float32) / np.sqrt(D)  # self-loop transform
    edge_index = jax.random.randint(ks[4], (2, E), 0, N, dtype=jnp.int32)
    edge_type = jax.random.randint(ks[5], (E,), 0, R, dtype=jnp.int32)
    text_features_ab = jax.random.normal(ks[6], (B, TD), dtype=jnp.float32)
    text_features_bc = jax.random.normal(ks[7], (B, TD), dtype=jnp.float32)
    W1 = jax.random.normal(ks[8], (TD, 2 * D), dtype=jnp.float32) / np.sqrt(TD)
    b1 = jnp.zeros((2 * D,), dtype=jnp.float32)
    W2 = jax.random.normal(ks[9], (2 * D, D), dtype=jnp.float32) / np.sqrt(2 * D)
    b2 = jnp.zeros((D,), dtype=jnp.float32)
    return {
        "x": x, "rel_emb": rel_emb, "W": W, "W_self": W_self,
        "text_features_ab": text_features_ab, "text_features_bc": text_features_bc,
        "W1": W1, "b1": b1, "W2": W2, "b2": b2,
        "edge_index": edge_index, "edge_type": edge_type,
    }


def reference(x, rel_emb, W, W_self, text_features_ab, text_features_bc,
              W1, b1, W2, b2, edge_index, edge_type):
    # --- StarE backbone: CompGCN-style (subtraction composition) message passing
    # over all entities, returning updated entity embeddings. Dropout is identity
    # in eval mode. ---
    src = edge_index[0]
    dst = edge_index[1]
    # gather source-node features and compose with typed relation embeddings
    msg = (jnp.take(x, src, axis=0) - jnp.take(rel_emb, edge_type, axis=0)) @ W
    # scatter-add messages to destination nodes
    agg = jax.ops.segment_sum(msg, dst, num_segments=N)
    deg = jax.ops.segment_sum(jnp.ones((E,), dtype=jnp.float32), dst, num_segments=N)
    agg = agg / jnp.maximum(deg, 1.0)[:, None]
    node_embeddings = jnp.tanh(agg + x @ W_self)
    # --- Text projector: Linear(text_dim, 2D) -> ReLU -> Linear(2D, D) ---
    h_ab = jax.nn.relu(text_features_ab @ W1 + b1)
    proj_ab = h_ab @ W2 + b2
    h_bc = jax.nn.relu(text_features_bc @ W1 + b1)
    proj_bc = h_bc @ W2 + b2
    return (node_embeddings, proj_ab, proj_bc)

if __name__ == "__main__":
    import jax
    _d = setup_inputs()
    print(jax.jit(kernel)(*tuple(_d.values())))

</pallas_src>

<mosaic_0001>
#map = affine_map<(d0, d1) -> (0, 0)>
#map1 = affine_map<(d0, d1) -> (0, 0, 0)>
module attributes {stable_mosaic.version = 14 : i64} {
  func.func @_sc_body(%arg0: i32, %arg1: i32, %arg2: memref<10000x128xf32, #tpu.memory_space<hbm>>, %arg3: memref<5120x64xi32, #tpu.memory_space<hbm>>, %arg4: memref<5120x64xi32, #tpu.memory_space<hbm>>, %arg5: memref<5120x64xi32, #tpu.memory_space<hbm>>, %arg6: memref<2x10240x128xf32, #tpu.memory_space<hbm>>, %arg7: memref<2x327680xf32, #tpu.memory_space<hbm>>, %arg8: memref<16x64xi32, #tpu.memory_space<vmem>>, %arg9: memref<16x64xi32, #tpu.memory_space<vmem>>, %arg10: memref<16x64xi32, #tpu.memory_space<vmem>>, %arg11: memref<64x128xf32, #tpu.memory_space<vmem>>, %arg12: memref<64x128xf32, #tpu.memory_space<vmem>>, %arg13: memref<64xf32, #tpu.memory_space<vmem>>, %arg14: memref<1280xf32, #tpu.memory_space<vmem>>, %arg15: memref<!tpu.dma_semaphore, #tpu.memory_space<semaphore_mem>>, %arg16: memref<!tpu.dma_semaphore, #tpu.memory_space<semaphore_mem>>, %arg17: memref<!tpu.dma_semaphore, #tpu.memory_space<semaphore_mem>>, %arg18: memref<!tpu.dma_semaphore, #tpu.memory_space<semaphore_mem>>, %arg19: memref<!tpu.dma_semaphore, #tpu.memory_space<semaphore_mem>>, %arg20: memref<10240x128xf32, #tpu.memory_space<vmem_shared>>, %arg21: memref<327680xf32, #tpu.memory_space<vmem_shared>>) attributes {dimension_semantics = [#tpu.dimension_semantics<core_parallel>, #tpu.dimension_semantics<subcore_parallel>], iteration_bounds = array<i64: 2, 16>, scalar_prefetch = 0 : i64, scratch_operands = 14 : i64, tpu.core_type = #tpu.core_type<sc_vector_subcore>, window_params = [{transform_indices = #map}, {transform_indices = #map}, {transform_indices = #map}, {transform_indices = #map}, {transform_indices = #map1}, {transform_indices = #map}]} {
    %mul3A = arith.constant 16 : i32
    %mul3A_0 = arith.muli %arg0, %mul3A : i32
    %add3A = arith.addi %mul3A_0, %arg1 : i32
    %broadcast_in_dim3A = arith.constant 0.000000e+00 : f32
    %broadcast_in_dim3A_1 = vector.broadcast %broadcast_in_dim3A : f32 to vector<16xf32>
    %broadcast_in_dim3A_2 = arith.constant 1.000000e+00 : f32
    %broadcast_in_dim3A_3 = vector.broadcast %broadcast_in_dim3A_2 : f32 to vector<16xf32>
    %scan3A = arith.constant 0 : i32
    %scan3A_4 = arith.constant 64 : i32
    %scan3A_5 = arith.addi %scan3A, %scan3A_4 : i32
    %scan3A_6 = arith.constant 1 : i32
    scf.for %scan3A_54 = %scan3A to %scan3A_5 step %scan3A_6  : i32 {
      %mul3A_55 = arith.constant 1 : i32
      %mul3A_56 = arith.muli %scan3A_54, %mul3A_55 : i32
      %add3A_57 = arith.constant 0 : i32
      %add3A_58 = arith.addi %add3A_57, %mul3A_56 : i32
      %scan3A_59 = arith.constant 0 : i32
      %scan3A_60 = arith.constant 8 : i32
      %scan3A_61 = arith.addi %scan3A_59, %scan3A_60 : i32
      %scan3A_62 = arith.constant 1 : i32
      scf.for %scan3A_64 = %scan3A_59 to %scan3A_61 step %scan3A_62  : i32 {
        %mul3A_65 = arith.constant 16 : i32
        %mul3A_66 = arith.muli %scan3A_64, %mul3A_65 : i32
        %add3A_67 = arith.constant 0 : i32
        %add3A_68 = arith.addi %add3A_67, %mul3A_66 : i32
        %swap3A = arith.index_cast %add3A_58 : i32 to index
        %swap3A_69 = arith.index_cast %add3A_68 : i32 to index
        %swap3A_70 = tpu.vector_load %arg11[%swap3A, %swap3A_69] {strides = array<i32>} : memref<64x128xf32, #tpu.memory_space<vmem>>, vector<1x16xf32>,
        %swap3A_71 = vector.shape_cast %swap3A_70 : vector<1x16xf32> to vector<16xf32>
        %swap3A_72 = vector.shape_cast %broadcast_in_dim3A_1 : vector<16xf32> to vector<1x16xf32>
        tpu.vector_store %arg11[%swap3A, %swap3A_69], %swap3A_72 {strides = array<i32>} : memref<64x128xf32, #tpu.memory_space<vmem>>, vector<1x16xf32>,
      }
      %scan3A_63 = arith.constant 8 : i32
    }
    %scan3A_7 = arith.constant 64 : i32
    %scan3A_8 = arith.constant 0 : i32
    %scan3A_9 = arith.constant 80 : i32
    %scan3A_10 = arith.addi %scan3A_8, %scan3A_9 : i32
    %scan3A_11 = arith.constant 1 : i32
    scf.for %scan3A_54 = %scan3A_8 to %scan3A_10 step %scan3A_11  : i32 {
      %mul3A_55 = arith.constant 16 : i32
      %mul3A_56 = arith.muli %scan3A_54, %mul3A_55 : i32
      %add3A_57 = arith.constant 0 : i32
      %add3A_58 = arith.addi %add3A_57, %mul3A_56 : i32
      %swap3A = arith.index_cast %add3A_58 : i32 to index
      %swap3A_59 = tpu.vector_load %arg14[%swap3A] {strides = array<i32>} : memref<1280xf32, #tpu.memory_space<vmem>>, vector<16xf32>,
      %swap3A_60 = vector.shape_cast %swap3A_59 : vector<16xf32> to vector<16xf32>
      %swap3A_61 = vector.shape_cast %broadcast_in_dim3A_1 : vector<16xf32> to vector<16xf32>
      tpu.vector_store %arg14[%swap3A], %swap3A_61 {strides = array<i32>} : memref<1280xf32, #tpu.memory_space<vmem>>, vector<16xf32>,
    }
    %scan3A_12 = arith.constant 80 : i32
    %scan3A_13 = arith.constant 0 : i32
    %scan3A_14 = arith.constant 4 : i32
    %scan3A_15 = arith.addi %scan3A_13, %scan3A_14 : i32
    %scan3A_16 = arith.constant 1 : i32
    scf.for %scan3A_54 = %scan3A_13 to %scan3A_15 step %scan3A_16  : i32 {
      %mul3A_55 = arith.constant 16 : i32
      %mul3A_56 = arith.muli %scan3A_54, %mul3A_55 : i32
      %add3A_57 = arith.constant 0 : i32
      %add3A_58 = arith.addi %add3A_57, %mul3A_56 : i32
      %swap3A = arith.index_cast %add3A_58 : i32 to index
      %swap3A_59 = tpu.vector_load %arg13[%swap3A] {strides = array<i32>} : memref<64xf32, #tpu.memory_space<vmem>>, vector<16xf32>,
      %swap3A_60 = vector.shape_cast %swap3A_59 : vector<16xf32> to vector<16xf32>
      %swap3A_61 = vector.shape_cast %broadcast_in_dim3A_3 : vector<16xf32> to vector<16xf32>
      tpu.vector_store %arg13[%swap3A], %swap3A_61 {strides = array<i32>} : memref<64xf32, #tpu.memory_space<vmem>>, vector<16xf32>,
    }
    %scan3A_17 = arith.constant 4 : i32
    %scan3A_18 = arith.constant 0 : i32
    %scan3A_19 = arith.constant 10 : i32
    %scan3A_20 = arith.addi %scan3A_18, %scan3A_19 : i32
    %scan3A_21 = arith.constant 1 : i32
    scf.for %scan3A_54 = %scan3A_18 to %scan3A_20 step %scan3A_21  : i32 {
      %mul3A_55 = arith.constant 64 : i32
      %mul3A_56 = arith.muli %scan3A_54, %mul3A_55 : i32
      %add3A_57 = arith.constant 0 : i32
      %add3A_58 = arith.addi %add3A_57, %mul3A_56 : i32
      %mul3A_59 = arith.constant 640 : i32
      %mul3A_60 = arith.muli %arg1, %mul3A_59 : i32
      %add3A_61 = arith.addi %mul3A_60, %add3A_58 : i32
      "tpu.region"() ({
        %run_scoped3A = tpu.sem_alloc : memref<!tpu.dma_semaphore, #tpu.memory_space<semaphore_mem>>
        %dma_start3A = arith.constant 0 : i32
        %dma_start3A_62 = tpu.memref_slice %arg20[%add3A_61, %dma_start3A] : memref<10240x128xf32, #tpu.memory_space<vmem_shared>> -> memref<64x128xf32, #tpu.memory_space<vmem_shared>>
        %dma_start3A_63 = arith.constant 0 : i32
        %dma_start3A_64 = tpu.memref_slice %arg20[%add3A_61, %dma_start3A_63] : memref<10240x128xf32, #tpu.memory_space<vmem_shared>> -> memref<64x128xf32, #tpu.memory_space<vmem_shared>>
        tpu.enqueue_dma source(%arg11 : memref<64x128xf32, #tpu.memory_space<vmem>>) target(%dma_start3A_64 : memref<64x128xf32, #tpu.memory_space<vmem_shared>>) target_semaphore(%run_scoped3A : memref<!tpu.dma_semaphore, #tpu.memory_space<semaphore_mem>>)
        %dma_wait3A = arith.constant 0 : i32
        %dma_wait3A_65 = tpu.memref_slice %arg20[%add3A_61, %dma_wait3A] : memref<10240x128xf32, #tpu.memory_space<vmem_shared>> -> memref<64x128xf32, #tpu.memory_space<vmem_shared>>
        %dma_wait3A_66 = arith.constant 0 : i32
        %dma_wait3A_67 = tpu.memref_slice %arg20[%add3A_61, %dma_wait3A_66] : memref<10240x128xf32, #tpu.memory_space<vmem_shared>> -> memref<64x128xf32, #tpu.memory_space<vmem_shared>>
        tpu.wait_dma2 semaphore(%run_scoped3A : memref<!tpu.dma_semaphore, #tpu.memory_space<semaphore_mem>>) src(%arg11 : memref<64x128xf32, #tpu.memory_space<vmem>>) dst(%dma_wait3A_67 : memref<64x128xf32, #tpu.memory_space<vmem_shared>>)
        tpu.yield
      }) : () -> ()
    }
    %scan3A_22 = arith.constant 10 : i32
    %scan3A_23 = arith.constant 0 : i32
    %scan3A_24 = arith.constant 16 : i32
    %scan3A_25 = arith.addi %scan3A_23, %scan3A_24 : i32
    %scan3A_26 = arith.constant 1 : i32
    scf.for %scan3A_54 = %scan3A_23 to %scan3A_25 step %scan3A_26  : i32 {
      %mul3A_55 = arith.constant 1280 : i32
      %mul3A_56 = arith.muli %scan3A_54, %mul3A_55 : i32
      %add3A_57 = arith.constant 0 : i32
      %add3A_58 = arith.addi %add3A_57, %mul3A_56 : i32
      %mul3A_59 = arith.constant 20480 : i32
      %mul3A_60 = arith.muli %arg1, %mul3A_59 : i32
      %add3A_61 = arith.addi %mul3A_60, %add3A_58 : i32
      "tpu.region"() ({
        %run_scoped3A = tpu.sem_alloc : memref<!tpu.dma_semaphore, #tpu.memory_space<semaphore_mem>>
        %dma_start3A = tpu.memref_slice %arg21[%add3A_61] : memref<327680xf32, #tpu.memory_space<vmem_shared>> -> memref<1280xf32, #tpu.memory_space<vmem_shared>>
        %dma_start3A_62 = tpu.memref_slice %arg21[%add3A_61] : memref<327680xf32, #tpu.memory_space<vmem_shared>> -> memref<1280xf32, #tpu.memory_space<vmem_shared>>
        tpu.enqueue_dma source(%arg14 : memref<1280xf32, #tpu.memory_space<vmem>>) target(%dma_start3A_62 : memref<1280xf32, #tpu.memory_space<vmem_shared>>) target_semaphore(%run_scoped3A : memref<!tpu.dma_semaphore, #tpu.memory_space<semaphore_mem>>)
        %dma_wait3A = tpu.memref_slice %arg21[%add3A_61] : memref<327680xf32, #tpu.memory_space<vmem_shared>> -> memref<1280xf32, #tpu.memory_space<vmem_shared>>
        %dma_wait3A_63 = tpu.memref_slice %arg21[%add3A_61] : memref<327680xf32, #tpu.memory_space<vmem_shared>> -> memref<1280xf32, #tpu.memory_space<vmem_shared>>
        tpu.wait_dma2 semaphore(%run_scoped3A : memref<!tpu.dma_semaphore, #tpu.memory_space<semaphore_mem>>) src(%arg14 : memref<1280xf32, #tpu.memory_space<vmem>>) dst(%dma_wait3A_63 : memref<1280xf32, #tpu.memory_space<vmem_shared>>)
        tpu.yield
      }) : () -> ()
    }
    %scan3A_27 = arith.constant 16 : i32
    %barrier3A = arith.constant 0 : index
    tpu.barrier barrier_id(%barrier3A)
    %eq3A = arith.constant 0 : i32
    %eq3A_28 = arith.cmpi eq, %arg0, %eq3A : i32
    %select_n3A = arith.constant 3 : i32
    %select_n3A_29 = arith.constant 17 : i32
    %select_n3A_30 = arith.select %eq3A_28, %select_n3A_29, %select_n3A : i32
    %eq3A_31 = arith.constant 0 : i32
    %eq3A_32 = arith.cmpi eq, %arg0, %eq3A_31 : i32
    %mul3A_33 = arith.constant 272 : i32
    %mul3A_34 = arith.muli %arg1, %mul3A_33 : i32
    %mul3A_35 = arith.constant 48 : i32
    %mul3A_36 = arith.muli %arg1, %mul3A_35 : i32
    %add3A_37 = arith.constant 4352 : i32
    %add3A_38 = arith.addi %add3A_37, %mul3A_36 : i32
    %select_n3A_39 = arith.select %eq3A_32, %mul3A_34, %add3A_38 : i32
    %scan3A_40 = arith.constant 0 : i32
    %scan3A_41 = arith.constant 17 : i32
    %scan3A_42 = arith.addi %scan3A_40, %scan3A_41 : i32
    %scan3A_43 = arith.constant 1 : i32
    scf.for %scan3A_54 = %scan3A_40 to %scan3A_42 step %scan3A_43  : i32 {
      %mul3A_55 = arith.constant 1 : i32
      %mul3A_56 = arith.muli %scan3A_54, %mul3A_55 : i32
      %add3A_57 = arith.constant 0 : i32
      %add3A_58 = arith.addi %add3A_57, %mul3A_56 : i32
      %lt3A = arith.cmpi slt, %add3A_58, %select_n3A_30 : i32
      %convert_element_type3A = arith.extui %lt3A : i1 to i32
      %cond3A = arith.constant 0 : i32
      %cond3A_59 = arith.cmpi ne, %convert_element_type3A, %cond3A : i32
      scf.if %cond3A_59 {
        %mul3A_60 = arith.constant 16 : i32
        %mul3A_61 = arith.muli %add3A_58, %mul3A_60 : i32
        %add3A_62 = arith.addi %select_n3A_39, %mul3A_61 : i32
        "tpu.region"() ({
          %run_scoped3A = tpu.sem_alloc : memref<!tpu.dma_semaphore, #tpu.memory_space<semaphore_mem>>
          %dma_start3A_85 = arith.constant 0 : i32
          %dma_start3A_86 = tpu.memref_slice %arg3[%add3A_62, %dma_start3A_85] : memref<5120x64xi32, #tpu.memory_space<hbm>> -> memref<16x64xi32, #tpu.memory_space<hbm>>
          %dma_start3A_87 = arith.constant 0 : i32
          %dma_start3A_88 = tpu.memref_slice %arg3[%add3A_62, %dma_start3A_87] : memref<5120x64xi32, #tpu.memory_space<hbm>> -> memref<16x64xi32, #tpu.memory_space<hbm>>
          tpu.enqueue_dma source(%dma_start3A_88 : memref<16x64xi32, #tpu.memory_space<hbm>>) target(%arg8 : memref<16x64xi32, #tpu.memory_space<vmem>>) target_semaphore(%run_scoped3A : memref<!tpu.dma_semaphore, #tpu.memory_space<semaphore_mem>>)
          %dma_wait3A_89 = arith.constant 0 : i32
          %dma_wait3A_90 = tpu.memref_slice %arg3[%add3A_62, %dma_wait3A_89] : memref<5120x64xi32, #tpu.memory_space<hbm>> -> memref<16x64xi32, #tpu.memory_space<hbm>>
          %dma_wait3A_91 = arith.constant 0 : i32
          %dma_wait3A_92 = tpu.memref_slice %arg3[%add3A_62, %dma_wait3A_91] : memref<5120x64xi32, #tpu.memory_space<hbm>> -> memref<16x64xi32, #tpu.memory_space<hbm>>
          tpu.wait_dma2 semaphore(%run_scoped3A : memref<!tpu.dma_semaphore, #tpu.memory_space<semaphore_mem>>) src(%dma_wait3A_92 : memref<16x64xi32, #tpu.memory_space<hbm>>) dst(%arg8 : memref<16x64xi32, #tpu.memory_space<vmem>>)
          tpu.yield
        }) : () -> ()
        "tpu.region"() ({
          %run_scoped3A = tpu.sem_alloc : memref<!tpu.dma_semaphore, #tpu.memory_space<semaphore_mem>>
          %dma_start3A_85 = arith.constant 0 : i32
          %dma_start3A_86 = tpu.memref_slice %arg4[%add3A_62, %dma_start3A_85] : memref<5120x64xi32, #tpu.memory_space<hbm>> -> memref<16x64xi32, #tpu.memory_space<hbm>>
          %dma_start3A_87 = arith.constant 0 : i32
          %dma_start3A_88 = tpu.memref_slice %arg4[%add3A_62, %dma_start3A_87] : memref<5120x64xi32, #tpu.memory_space<hbm>> -> memref<16x64xi32, #tpu.memory_space<hbm>>
          tpu.enqueue_dma source(%dma_start3A_88 : memref<16x64xi32, #tpu.memory_space<hbm>>) target(%arg9 : memref<16x64xi32, #tpu.memory_space<vmem>>) target_semaphore(%run_scoped3A : memref<!tpu.dma_semaphore, #tpu.memory_space<semaphore_mem>>)
          %dma_wait3A_89 = arith.constant 0 : i32
          %dma_wait3A_90 = tpu.memref_slice %arg4[%add3A_62, %dma_wait3A_89] : memref<5120x64xi32, #tpu.memory_space<hbm>> -> memref<16x64xi32, #tpu.memory_space<hbm>>
          %dma_wait3A_91 = arith.constant 0 : i32
          %dma_wait3A_92 = tpu.memref_slice %arg4[%add3A_62, %dma_wait3A_91] : memref<5120x64xi32, #tpu.memory_space<hbm>> -> memref<16x64xi32, #tpu.memory_space<hbm>>
          tpu.wait_dma2 semaphore(%run_scoped3A : memref<!tpu.dma_semaphore, #tpu.memory_space<semaphore_mem>>) src(%dma_wait3A_92 : memref<16x64xi32, #tpu.memory_space<hbm>>) dst(%arg9 : memref<16x64xi32, #tpu.memory_space<vmem>>)
          tpu.yield
        }) : () -> ()
        "tpu.region"() ({
          %run_scoped3A = tpu.sem_alloc : memref<!tpu.dma_semaphore, #tpu.memory_space<semaphore_mem>>
          %dma_start3A_85 = arith.constant 0 : i32
          %dma_start3A_86 = tpu.memref_slice %arg5[%add3A_62, %dma_start3A_85] : memref<5120x64xi32, #tpu.memory_space<hbm>> -> memref<16x64xi32, #tpu.memory_space<hbm>>
          %dma_start3A_87 = arith.constant 0 : i32
          %dma_start3A_88 = tpu.memref_slice %arg5[%add3A_62, %dma_start3A_87] : memref<5120x64xi32, #tpu.memory_space<hbm>> -> memref<16x64xi32, #tpu.memory_space<hbm>>
          tpu.enqueue_dma source(%dma_start3A_88 : memref<16x64xi32, #tpu.memory_space<hbm>>) target(%arg10 : memref<16x64xi32, #tpu.memory_space<vmem>>) target_semaphore(%run_scoped3A : memref<!tpu.dma_semaphore, #tpu.memory_space<semaphore_mem>>)
          %dma_wait3A_89 = arith.constant 0 : i32
          %dma_wait3A_90 = tpu.memref_slice %arg5[%add3A_62, %dma_wait3A_89] : memref<5120x64xi32, #tpu.memory_space<hbm>> -> memref<16x64xi32, #tpu.memory_space<hbm>>
          %dma_wait3A_91 = arith.constant 0 : i32
          %dma_wait3A_92 = tpu.memref_slice %arg5[%add3A_62, %dma_wait3A_91] : memref<5120x64xi32, #tpu.memory_space<hbm>> -> memref<16x64xi32, #tpu.memory_space<hbm>>
          tpu.wait_dma2 semaphore(%run_scoped3A : memref<!tpu.dma_semaphore, #tpu.memory_space<semaphore_mem>>) src(%dma_wait3A_92 : memref<16x64xi32, #tpu.memory_space<hbm>>) dst(%arg10 : memref<16x64xi32, #tpu.memory_space<vmem>>)
          tpu.yield
        }) : () -> ()
        %dma_start3A = arith.constant 0 : i32
        %dma_start3A_63 = arith.constant 0 : i32
        %dma_start3A_64 = tpu.memref_slice %arg8[%dma_start3A, %dma_start3A_63] : memref<16x64xi32, #tpu.memory_space<vmem>> -> memref<1x64xi32, #tpu.memory_space<vmem>>
        %dma_start3A_65 = tpu.memref_squeeze %dma_start3A_64 : memref<1x64xi32, #tpu.memory_space<vmem>> -> memref<64xi32, #tpu.memory_space<vmem>>
        %dma_start3A_66 = arith.constant 0 : i32
        %dma_start3A_67 = arith.constant 0 : i32
        %dma_start3A_68 = tpu.memref_slice %arg2[%dma_start3A_66, %dma_start3A_67] : memref<10000x128xf32, #tpu.memory_space<hbm>> -> memref<10000x128xf32, #tpu.memory_space<hbm>>
        tpu.enqueue_indirect_dma source(%dma_start3A_68 : memref<10000x128xf32, #tpu.memory_space<hbm>>) target(%arg11 : memref<64x128xf32, #tpu.memory_space<vmem>>) offsets(%dma_start3A_65 : memref<64xi32, #tpu.memory_space<vmem>>) semaphore(%arg15 : memref<!tpu.dma_semaphore, #tpu.memory_space<semaphore_mem>>)
        %scan3A_69 = arith.constant 0 : i32
        %scan3A_70 = arith.constant 8 : i32
        %scan3A_71 = arith.addi %scan3A_69, %scan3A_70 : i32
        %scan3A_72 = arith.constant 1 : i32
        scf.for %scan3A_85 = %scan3A_69 to %scan3A_71 step %scan3A_72  : i32 {
          %mul3A_86 = arith.constant 2 : i32
          %mul3A_87 = arith.muli %scan3A_85, %mul3A_86 : i32
          %add3A_88 = arith.constant 0 : i32
          %add3A_89 = arith.addi %add3A_88, %mul3A_87 : i32
          %add3A_90 = arith.constant 0 : i32
          %add3A_91 = arith.addi %add3A_89, %add3A_90 : i32
          %dma_wait3A_92 = arith.constant 0 : i32
          %dma_wait3A_93 = tpu.memref_slice %arg8[%add3A_91, %dma_wait3A_92] : memref<16x64xi32, #tpu.memory_space<vmem>> -> memref<1x64xi32, #tpu.memory_space<vmem>>
          %dma_wait3A_94 = tpu.memref_squeeze %dma_wait3A_93 : memref<1x64xi32, #tpu.memory_space<vmem>> -> memref<64xi32, #tpu.memory_space<vmem>>
          %dma_wait3A_95 = arith.constant 0 : i32
          %dma_wait3A_96 = arith.constant 0 : i32
          %dma_wait3A_97 = tpu.memref_slice %arg2[%dma_wait3A_95, %dma_wait3A_96] : memref<10000x128xf32, #tpu.memory_space<hbm>> -> memref<10000x128xf32, #tpu.memory_space<hbm>>
          tpu.wait_indirect_dma semaphore(%arg15 : memref<!tpu.dma_semaphore, #tpu.memory_space<semaphore_mem>>) src(%dma_wait3A_97 : memref<10000x128xf32, #tpu.memory_space<hbm>>) dst(%arg11 : memref<64x128xf32, #tpu.memory_space<vmem>>)
          %ge3A = arith.constant 1 : i32
          %ge3A_98 = arith.cmpi sge, %add3A_91, %ge3A : i32
          %convert_element_type3A_99 = arith.extui %ge3A_98 : i1 to i32
          %cond3A_100 = arith.constant 0 : i32
          %cond3A_101 = arith.cmpi ne, %convert_element_type3A_99, %cond3A_100 : i32
          scf.if %cond3A_101 {
            %sub3A = arith.constant 1 : i32
            %sub3A_151 = arith.subi %add3A_91, %sub3A : i32
            %dma_wait3A_152 = arith.constant 0 : i32
            %dma_wait3A_153 = tpu.memref_slice %arg9[%sub3A_151, %dma_wait3A_152] : memref<16x64xi32, #tpu.memory_space<vmem>> -> memref<1x64xi32, #tpu.memory_space<vmem>>
            %dma_wait3A_154 = tpu.memref_squeeze %dma_wait3A_153 : memref<1x64xi32, #tpu.memory_space<vmem>> -> memref<64xi32, #tpu.memory_space<vmem>>
            %dma_wait3A_155 = arith.constant 0 : i32
            %dma_wait3A_156 = arith.constant 0 : i32
            %dma_wait3A_157 = tpu.memref_slice %arg20[%dma_wait3A_155, %dma_wait3A_156] : memref<10240x128xf32, #tpu.memory_space<vmem_shared>> -> memref<10240x128xf32, #tpu.memory_space<vmem_shared>>
            tpu.wait_indirect_dma semaphore(%arg18 : memref<!tpu.dma_semaphore, #tpu.memory_space<semaphore_mem>>) src(%arg12 : memref<64x128xf32, #tpu.memory_space<vmem>>) dst(%dma_wait3A_157 : memref<10240x128xf32, #tpu.memory_space<vmem_shared>>)
          } else {
          }
          %add3A_102 = arith.constant 1 : i32
          %add3A_103 = arith.addi %add3A_91, %add3A_102 : i32
          %lt3A_104 = arith.constant 16 : i32
          %lt3A_105 = arith.cmpi slt, %add3A_103, %lt3A_104 : i32
          %convert_element_type3A_106 = arith.extui %lt3A_105 : i1 to i32
          %cond3A_107 = arith.constant 0 : i32
          %cond3A_108 = arith.cmpi ne, %convert_element_type3A_106, %cond3A_107 : i32
          scf.if %cond3A_108 {
            %add3A_151 = arith.constant 1 : i32
            %add3A_152 = arith.addi %add3A_91, %add3A_151 : i32
            %dma_start3A_153 = arith.constant 0 : i32
            %dma_start3A_154 = tpu.memref_slice %arg8[%add3A_152, %dma_start3A_153] : memref<16x64xi32, #tpu.memory_space<vmem>> -> memref<1x64xi32, #tpu.memory_space<vmem>>
            %dma_start3A_155 = tpu.memref_squeeze %dma_start3A_154 : memref<1x64xi32, #tpu.memory_space<vmem>> -> memref<64xi32, #tpu.memory_space<vmem>>
            %dma_start3A_156 = arith.constant 0 : i32
            %dma_start3A_157 = arith.constant 0 : i32
            %dma_start3A_158 = tpu.memref_slice %arg2[%dma_start3A_156, %dma_start3A_157] : memref<10000x128xf32, #tpu.memory_space<hbm>> -> memref<10000x128xf32, #tpu.memory_space<hbm>>
            tpu.enqueue_indirect_dma source(%dma_start3A_158 : memref<10000x128xf32, #tpu.memory_space<hbm>>) target(%arg12 : memref<64x128xf32, #tpu.memory_space<vmem>>) offsets(%dma_start3A_155 : memref<64xi32, #tpu.memory_space<vmem>>) semaphore(%arg16 : memref<!tpu.dma_semaphore, #tpu.memory_space<semaphore_mem>>)
          } else {
          }
          %dma_start3A_109 = arith.constant 0 : i32
          %dma_start3A_110 = tpu.memref_slice %arg9[%add3A_91, %dma_start3A_109] : memref<16x64xi32, #tpu.memory_space<vmem>> -> memref<1x64xi32, #tpu.memory_space<vmem>>
          %dma_start3A_111 = tpu.memref_squeeze %dma_start3A_110 : memref<1x64xi32, #tpu.memory_space<vmem>> -> memref<64xi32, #tpu.memory_space<vmem>>
          %dma_start3A_112 = arith.constant 0 : i32
          %dma_start3A_113 = arith.constant 0 : i32
          %dma_start3A_114 = tpu.memref_slice %arg20[%dma_start3A_112, %dma_start3A_113] : memref<10240x128xf32, #tpu.memory_space<vmem_shared>> -> memref<10240x128xf32, #tpu.memory_space<vmem_shared>>
          tpu.enqueue_indirect_dma source(%arg11 : memref<64x128xf32, #tpu.memory_space<vmem>>) target(%dma_start3A_114 : memref<10240x128xf32, #tpu.memory_space<vmem_shared>>) offsets(%dma_start3A_111 : memref<64xi32, #tpu.memory_space<vmem>>) semaphore(%arg17 : memref<!tpu.dma_semaphore, #tpu.memory_space<semaphore_mem>>) {add = true}
          %dma_start3A_115 = arith.constant 0 : i32
          %dma_start3A_116 = tpu.memref_slice %arg10[%add3A_91, %dma_start3A_115] : memref<16x64xi32, #tpu.memory_space<vmem>> -> memref<1x64xi32, #tpu.memory_space<vmem>>
          %dma_start3A_117 = tpu.memref_squeeze %dma_start3A_116 : memref<1x64xi32, #tpu.memory_space<vmem>> -> memref<64xi32, #tpu.memory_space<vmem>>
          %dma_start3A_118 = arith.constant 0 : i32
          %dma_start3A_119 = tpu.memref_slice %arg21[%dma_start3A_118] : memref<327680xf32, #tpu.memory_space<vmem_shared>> -> memref<327680xf32, #tpu.memory_space<vmem_shared>>
          tpu.enqueue_indirect_dma source(%arg13 : memref<64xf32, #tpu.memory_space<vmem>>) target(%dma_start3A_119 : memref<327680xf32, #tpu.memory_space<vmem_shared>>) offsets(%dma_start3A_117 : memref<64xi32, #tpu.memory_space<vmem>>) semaphore(%arg19 : memref<!tpu.dma_semaphore, #tpu.memory_space<semaphore_mem>>) {add = true}
          %add3A_120 = arith.constant 1 : i32
          %add3A_121 = arith.addi %add3A_89, %add3A_120 : i32
          %dma_wait3A_122 = arith.constant 0 : i32
          %dma_wait3A_123 = tpu.memref_slice %arg8[%add3A_121, %dma_wait3A_122] : memref<16x64xi32, #tpu.memory_space<vmem>> -> memref<1x64xi32, #tpu.memory_space<vmem>>
          %dma_wait3A_124 = tpu.memref_squeeze %dma_wait3A_123 : memref<1x64xi32, #tpu.memory_space<vmem>> -> memref<64xi32, #tpu.memory_space<vmem>>
          %dma_wait3A_125 = arith.constant 0 : i32
          %dma_wait3A_126 = arith.constant 0 : i32
          %dma_wait3A_127 = tpu.memref_slice %arg2[%dma_wait3A_125, %dma_wait3A_126] : memref<10000x128xf32, #tpu.memory_space<hbm>> -> memref<10000x128xf32, #tpu.memory_space<hbm>>
          tpu.wait_indirect_dma semaphore(%arg16 : memref<!tpu.dma_semaphore, #tpu.memory_space<semaphore_mem>>) src(%dma_wait3A_127 : memref<10000x128xf32, #tpu.memory_space<hbm>>) dst(%arg12 : memref<64x128xf32, #tpu.memory_space<vmem>>)
          %ge3A_128 = arith.constant 1 : i32
          %ge3A_129 = arith.cmpi sge, %add3A_121, %ge3A_128 : i32
          %convert_element_type3A_130 = arith.extui %ge3A_129 : i1 to i32
          %cond3A_131 = arith.constant 0 : i32
          %cond3A_132 = arith.cmpi ne, %convert_element_type3A_130, %cond3A_131 : i32
          scf.if %cond3A_132 {
            %sub3A = arith.constant 1 : i32
            %sub3A_151 = arith.subi %add3A_121, %sub3A : i32
            %dma_wait3A_152 = arith.constant 0 : i32
            %dma_wait3A_153 = tpu.memref_slice %arg9[%sub3A_151, %dma_wait3A_152] : memref<16x64xi32, #tpu.memory_space<vmem>> -> memref<1x64xi32, #tpu.memory_space<vmem>>
            %dma_wait3A_154 = tpu.memref_squeeze %dma_wait3A_153 : memref<1x64xi32, #tpu.memory_space<vmem>> -> memref<64xi32, #tpu.memory_space<vmem>>
            %dma_wait3A_155 = arith.constant 0 : i32
            %dma_wait3A_156 = arith.constant 0 : i32
            %dma_wait3A_157 = tpu.memref_slice %arg20[%dma_wait3A_155, %dma_wait3A_156] : memref<10240x128xf32, #tpu.memory_space<vmem_shared>> -> memref<10240x128xf32, #tpu.memory_space<vmem_shared>>
            tpu.wait_indirect_dma semaphore(%arg17 : memref<!tpu.dma_semaphore, #tpu.memory_space<semaphore_mem>>) src(%arg11 : memref<64x128xf32, #tpu.memory_space<vmem>>) dst(%dma_wait3A_157 : memref<10240x128xf32, #tpu.memory_space<vmem_shared>>)
          } else {
          }
          %add3A_133 = arith.constant 1 : i32
          %add3A_134 = arith.addi %add3A_121, %add3A_133 : i32
          %lt3A_135 = arith.constant 16 : i32
          %lt3A_136 = arith.cmpi slt, %add3A_134, %lt3A_135 : i32
          %convert_element_type3A_137 = arith.extui %lt3A_136 : i1 to i32
          %cond3A_138 = arith.constant 0 : i32
          %cond3A_139 = arith.cmpi ne, %convert_element_type3A_137, %cond3A_138 : i32
          scf.if %cond3A_139 {
            %add3A_151 = arith.constant 1 : i32
            %add3A_152 = arith.addi %add3A_121, %add3A_151 : i32
            %dma_start3A_153 = arith.constant 0 : i32
            %dma_start3A_154 = tpu.memref_slice %arg8[%add3A_152, %dma_start3A_153] : memref<16x64xi32, #tpu.memory_space<vmem>> -> memref<1x64xi32, #tpu.memory_space<vmem>>
            %dma_start3A_155 = tpu.memref_squeeze %dma_start3A_154 : memref<1x64xi32, #tpu.memory_space<vmem>> -> memref<64xi32, #tpu.memory_space<vmem>>
            %dma_start3A_156 = arith.constant 0 : i32
            %dma_start3A_157 = arith.constant 0 : i32
            %dma_start3A_158 = tpu.memref_slice %arg2[%dma_start3A_156, %dma_start3A_157] : memref<10000x128xf32, #tpu.memory_space<hbm>> -> memref<10000x128xf32, #tpu.memory_space<hbm>>
            tpu.enqueue_indirect_dma source(%dma_start3A_158 : memref<10000x128xf32, #tpu.memory_space<hbm>>) target(%arg11 : memref<64x128xf32, #tpu.memory_space<vmem>>) offsets(%dma_start3A_155 : memref<64xi32, #tpu.memory_space<vmem>>) semaphore(%arg15 : memref<!tpu.dma_semaphore, #tpu.memory_space<semaphore_mem>>)
          } else {
          }
          %dma_start3A_140 = arith.constant 0 : i32
          %dma_start3A_141 = tpu.memref_slice %arg9[%add3A_121, %dma_start3A_140] : memref<16x64xi32, #tpu.memory_space<vmem>> -> memref<1x64xi32, #tpu.memory_space<vmem>>
          %dma_start3A_142 = tpu.memref_squeeze %dma_start3A_141 : memref<1x64xi32, #tpu.memory_space<vmem>> -> memref<64xi32, #tpu.memory_space<vmem>>
          %dma_start3A_143 = arith.constant 0 : i32
          %dma_start3A_144 = arith.constant 0 : i32
          %dma_start3A_145 = tpu.memref_slice %arg20[%dma_start3A_143, %dma_start3A_144] : memref<10240x128xf32, #tpu.memory_space<vmem_shared>> -> memref<10240x128xf32, #tpu.memory_space<vmem_shared>>
          tpu.enqueue_indirect_dma source(%arg12 : memref<64x128xf32, #tpu.memory_space<vmem>>) target(%dma_start3A_145 : memref<10240x128xf32, #tpu.memory_space<vmem_shared>>) offsets(%dma_start3A_142 : memref<64xi32, #tpu.memory_space<vmem>>) semaphore(%arg18 : memref<!tpu.dma_semaphore, #tpu.memory_space<semaphore_mem>>) {add = true}
          %dma_start3A_146 = arith.constant 0 : i32
          %dma_start3A_147 = tpu.memref_slice %arg10[%add3A_121, %dma_start3A_146] : memref<16x64xi32, #tpu.memory_space<vmem>> -> memref<1x64xi32, #tpu.memory_space<vmem>>
          %dma_start3A_148 = tpu.memref_squeeze %dma_start3A_147 : memref<1x64xi32, #tpu.memory_space<vmem>> -> memref<64xi32, #tpu.memory_space<vmem>>
          %dma_start3A_149 = arith.constant 0 : i32
          %dma_start3A_150 = tpu.memref_slice %arg21[%dma_start3A_149] : memref<327680xf32, #tpu.memory_space<vmem_shared>> -> memref<327680xf32, #tpu.memory_space<vmem_shared>>
          tpu.enqueue_indirect_dma source(%arg13 : memref<64xf32, #tpu.memory_space<vmem>>) target(%dma_start3A_150 : memref<327680xf32, #tpu.memory_space<vmem_shared>>) offsets(%dma_start3A_148 : memref<64xi32, #tpu.memory_space<vmem>>) semaphore(%arg19 : memref<!tpu.dma_semaphore, #tpu.memory_space<semaphore_mem>>) {add = true}
        }
        %scan3A_73 = arith.constant 8 : i32
        %dma_wait3A = arith.constant 15 : i32
        %dma_wait3A_74 = arith.constant 0 : i32
        %dma_wait3A_75 = tpu.memref_slice %arg9[%dma_wait3A, %dma_wait3A_74] : memref<16x64xi32, #tpu.memory_space<vmem>> -> memref<1x64xi32, #tpu.memory_space<vmem>>
        %dma_wait3A_76 = tpu.memref_squeeze %dma_wait3A_75 : memref<1x64xi32, #tpu.memory_space<vmem>> -> memref<64xi32, #tpu.memory_space<vmem>>
        %dma_wait3A_77 = arith.constant 0 : i32
        %dma_wait3A_78 = arith.constant 0 : i32
        %dma_wait3A_79 = tpu.memref_slice %arg20[%dma_wait3A_77, %dma_wait3A_78] : memref<10240x128xf32, #tpu.memory_space<vmem_shared>> -> memref<10240x128xf32, #tpu.memory_space<vmem_shared>>
        tpu.wait_indirect_dma semaphore(%arg18 : memref<!tpu.dma_semaphore, #tpu.memory_space<semaphore_mem>>) src(%arg12 : memref<64x128xf32, #tpu.memory_space<vmem>>) dst(%dma_wait3A_79 : memref<10240x128xf32, #tpu.memory_space<vmem_shared>>)
        %scan3A_80 = arith.constant 0 : i32
        %scan3A_81 = arith.constant 16 : i32
        %scan3A_82 = arith.addi %scan3A_80, %scan3A_81 : i32
        %scan3A_83 = arith.constant 1 : i32
        scf.for %scan3A_85 = %scan3A_80 to %scan3A_82 step %scan3A_83  : i32 {
          %mul3A_86 = arith.constant 1 : i32
          %mul3A_87 = arith.muli %scan3A_85, %mul3A_86 : i32
          %add3A_88 = arith.constant 0 : i32
          %add3A_89 = arith.addi %add3A_88, %mul3A_87 : i32
          %dma_wait3A_90 = arith.constant 0 : i32
          %dma_wait3A_91 = tpu.memref_slice %arg10[%add3A_89, %dma_wait3A_90] : memref<16x64xi32, #tpu.memory_space<vmem>> -> memref<1x64xi32, #tpu.memory_space<vmem>>
          %dma_wait3A_92 = tpu.memref_squeeze %dma_wait3A_91 : memref<1x64xi32, #tpu.memory_space<vmem>> -> memref<64xi32, #tpu.memory_space<vmem>>
          %dma_wait3A_93 = arith.constant 0 : i32
          %dma_wait3A_94 = tpu.memref_slice %arg21[%dma_wait3A_93] : memref<327680xf32, #tpu.memory_space<vmem_shared>> -> memref<327680xf32, #tpu.memory_space<vmem_shared>>
          tpu.wait_indirect_dma semaphore(%arg19 : memref<!tpu.dma_semaphore, #tpu.memory_space<semaphore_mem>>) src(%arg13 : memref<64xf32, #tpu.memory_space<vmem>>) dst(%dma_wait3A_94 : memref<327680xf32, #tpu.memory_space<vmem_shared>>)
        }
        %scan3A_84 = arith.constant 16 : i32
      } else {
      }
    }
    %scan3A_44 = arith.constant 17 : i32
    %barrier3A_45 = arith.constant 0 : index
    tpu.barrier barrier_id(%barrier3A_45)
    %mul3A_46 = arith.constant 640 : i32
    %mul3A_47 = arith.muli %arg1, %mul3A_46 : i32
    %mul3A_48 = arith.constant 640 : i32
    %mul3A_49 = arith.muli %arg1, %mul3A_48 : i32
    "tpu.region"() ({
      %run_scoped3A = tpu.sem_alloc : memref<!tpu.dma_semaphore, #tpu.memory_space<semaphore_mem>>
      %dma_start3A = arith.constant 0 : i32
      %dma_start3A_54 = arith.constant 0 : i32
      %dma_start3A_55 = tpu.memref_slice %arg6[%arg0, %dma_start3A, %dma_start3A_54] : memref<2x10240x128xf32, #tpu.memory_space<hbm>> -> memref<1x10240x128xf32, #tpu.memory_space<hbm>>
      %dma_start3A_56 = tpu.memref_squeeze %dma_start3A_55 : memref<1x10240x128xf32, #tpu.memory_space<hbm>> -> memref<10240x128xf32, #tpu.memory_space<hbm>>
      %dma_start3A_57 = arith.constant 0 : i32
      %dma_start3A_58 = tpu.memref_slice %dma_start3A_56[%mul3A_49, %dma_start3A_57] : memref<10240x128xf32, #tpu.memory_space<hbm>> -> memref<640x128xf32, #tpu.memory_space<hbm>>
      %dma_start3A_59 = arith.constant 0 : i32
      %dma_start3A_60 = tpu.memref_slice %arg20[%mul3A_47, %dma_start3A_59] : memref<10240x128xf32, #tpu.memory_space<vmem_shared>> -> memref<640x128xf32, #tpu.memory_space<vmem_shared>>
      tpu.enqueue_dma source(%dma_start3A_60 : memref<640x128xf32, #tpu.memory_space<vmem_shared>>) target(%dma_start3A_58 : memref<640x128xf32, #tpu.memory_space<hbm>>) target_semaphore(%run_scoped3A : memref<!tpu.dma_semaphore, #tpu.memory_space<semaphore_mem>>)
      %dma_wait3A = arith.constant 0 : i32
      %dma_wait3A_61 = arith.constant 0 : i32
      %dma_wait3A_62 = tpu.memref_slice %arg6[%arg0, %dma_wait3A, %dma_wait3A_61] : memref<2x10240x128xf32, #tpu.memory_space<hbm>> -> memref<1x10240x128xf32, #tpu.memory_space<hbm>>
      %dma_wait3A_63 = tpu.memref_squeeze %dma_wait3A_62 : memref<1x10240x128xf32, #tpu.memory_space<hbm>> -> memref<10240x128xf32, #tpu.memory_space<hbm>>
      %dma_wait3A_64 = arith.constant 0 : i32
      %dma_wait3A_65 = tpu.memref_slice %dma_wait3A_63[%mul3A_49, %dma_wait3A_64] : memref<10240x128xf32, #tpu.memory_space<hbm>> -> memref<640x128xf32, #tpu.memory_space<hbm>>
      %dma_wait3A_66 = arith.constant 0 : i32
      %dma_wait3A_67 = tpu.memref_slice %arg20[%mul3A_47, %dma_wait3A_66] : memref<10240x128xf32, #tpu.memory_space<vmem_shared>> -> memref<640x128xf32, #tpu.memory_space<vmem_shared>>
      tpu.wait_dma2 semaphore(%run_scoped3A : memref<!tpu.dma_semaphore, #tpu.memory_space<semaphore_mem>>) src(%dma_wait3A_67 : memref<640x128xf32, #tpu.memory_space<vmem_shared>>) dst(%dma_wait3A_65 : memref<640x128xf32, #tpu.memory_space<hbm>>)
      tpu.yield
    }) : () -> ()
    %mul3A_50 = arith.constant 20480 : i32
    %mul3A_51 = arith.muli %arg1, %mul3A_50 : i32
    %mul3A_52 = arith.constant 20480 : i32
    %mul3A_53 = arith.muli %arg1, %mul3A_52 : i32
    "tpu.region"() ({
      %run_scoped3A = tpu.sem_alloc : memref<!tpu.dma_semaphore, #tpu.memory_space<semaphore_mem>>
      %dma_start3A = arith.constant 0 : i32
      %dma_start3A_54 = tpu.memref_slice %arg7[%arg0, %dma_start3A] : memref<2x327680xf32, #tpu.memory_space<hbm>> -> memref<1x327680xf32, #tpu.memory_space<hbm>>
      %dma_start3A_55 = tpu.memref_squeeze %dma_start3A_54 : memref<1x327680xf32, #tpu.memory_space<hbm>> -> memref<327680xf32, #tpu.memory_space<hbm>>
      %dma_start3A_56 = tpu.memref_slice %dma_start3A_55[%mul3A_53] : memref<327680xf32, #tpu.memory_space<hbm>> -> memref<20480xf32, #tpu.memory_space<hbm>>
      %dma_start3A_57 = tpu.memref_slice %arg21[%mul3A_51] : memref<327680xf32, #tpu.memory_space<vmem_shared>> -> memref<20480xf32, #tpu.memory_space<vmem_shared>>
      tpu.enqueue_dma source(%dma_start3A_57 : memref<20480xf32, #tpu.memory_space<vmem_shared>>) target(%dma_start3A_56 : memref<20480xf32, #tpu.memory_space<hbm>>) target_semaphore(%run_scoped3A : memref<!tpu.dma_semaphore, #tpu.memory_space<semaphore_mem>>)
      %dma_wait3A = arith.constant 0 : i32
      %dma_wait3A_58 = tpu.memref_slice %arg7[%arg0, %dma_wait3A] : memref<2x327680xf32, #tpu.memory_space<hbm>> -> memref<1x327680xf32, #tpu.memory_space<hbm>>
      %dma_wait3A_59 = tpu.memref_squeeze %dma_wait3A_58 : memref<1x327680xf32, #tpu.memory_space<hbm>> -> memref<327680xf32, #tpu.memory_space<hbm>>
      %dma_wait3A_60 = tpu.memref_slice %dma_wait3A_59[%mul3A_53] : memref<327680xf32, #tpu.memory_space<hbm>> -> memref<20480xf32, #tpu.memory_space<hbm>>
      %dma_wait3A_61 = tpu.memref_slice %arg21[%mul3A_51] : memref<327680xf32, #tpu.memory_space<vmem_shared>> -> memref<20480xf32, #tpu.memory_space<vmem_shared>>
      tpu.wait_dma2 semaphore(%run_scoped3A : memref<!tpu.dma_semaphore, #tpu.memory_space<semaphore_mem>>) src(%dma_wait3A_61 : memref<20480xf32, #tpu.memory_space<vmem_shared>>) dst(%dma_wait3A_60 : memref<20480xf32, #tpu.memory_space<hbm>>)
      tpu.yield
    }) : () -> ()
    return
  }
}

module attributes {stable_mosaic.version = 14 : i64} {
  func.func @_mlp_body(%arg0: i32, %arg1: memref<512x768xf32, #tpu.memory_space<vmem>>, %arg2: memref<512x768xf32, #tpu.memory_space<vmem>>, %arg3: memref<768x256xf32, #tpu.memory_space<vmem>>, %arg4: memref<1x256xf32, #tpu.memory_space<vmem>>, %arg5: memref<256x128xf32, #tpu.memory_space<vmem>>, %arg6: memref<1x128xf32, #tpu.memory_space<vmem>>, %arg7: memref<512x128xf32, #tpu.memory_space<vmem>>, %arg8: memref<512x128xf32, #tpu.memory_space<vmem>>) attributes {dimension_semantics = [#tpu.dimension_semantics<arbitrary>], iteration_bounds = array<i64: 8>, scalar_prefetch = 0 : i64, scratch_operands = 0 : i64, tpu.core_type = #tpu.core_type<tc>, window_params = [{transform_indices = @transform_0, window_bounds = array<i64: 512, 768>}, {transform_indices = @transform_1, window_bounds = array<i64: 512, 768>}, {pipeline_mode = #tpu.pipeline_mode<synchronous>, transform_indices = @transform_2, window_bounds = array<i64: 768, 256>}, {pipeline_mode = #tpu.pipeline_mode<synchronous>, transform_indices = @transform_3, window_bounds = array<i64: 1, 256>}, {pipeline_mode = #tpu.pipeline_mode<synchronous>, transform_indices = @transform_4, window_bounds = array<i64: 256, 128>}, {pipeline_mode = #tpu.pipeline_mode<synchronous>, transform_indices = @transform_5, window_bounds = array<i64: 1, 128>}, {transform_indices = @transform_6, window_bounds = array<i64: 512, 128>}, {transform_indices = @transform_7, window_bounds = array<i64: 512, 128>}]} {
    %get3A = arith.constant 0 : index
    %get3A_0 = arith.constant 0 : index
    %get3A_1 = vector.load %arg3[%get3A, %get3A_0] : memref<768x256xf32, #tpu.memory_space<vmem>>, vector<768x256xf32>
    %get3A_2 = arith.constant 0 : index
    %get3A_3 = arith.constant 0 : index
    %get3A_4 = vector.load %arg5[%get3A_2, %get3A_3] : memref<256x128xf32, #tpu.memory_space<vmem>>, vector<256x128xf32>
    %get3A_5 = arith.constant 0 : index
    %get3A_6 = arith.constant 0 : index
    %get3A_7 = vector.load %arg4[%get3A_5, %get3A_6] : memref<1x256xf32, #tpu.memory_space<vmem>>, vector<1x256xf32>
    %get3A_8 = arith.constant 0 : index
    %get3A_9 = arith.constant 0 : index
    %get3A_10 = vector.load %arg6[%get3A_8, %get3A_9] : memref<1x128xf32, #tpu.memory_space<vmem>>, vector<1x128xf32>
    %get3A_11 = arith.constant 0 : index
    %get3A_12 = arith.constant 0 : index
    %get3A_13 = vector.load %arg1[%get3A_11, %get3A_12] : memref<512x768xf32, #tpu.memory_space<vmem>>, vector<512x768xf32>
    %dot_general3A = arith.constant dense<0.000000e+00> : vector<512x256xf32>
    %dot_general3A_14 = tpu.matmul %get3A_13, %get3A_1, %dot_general3A {dimension_numbers = #tpu.dot_dimension_numbers<[1], [0], [0], [1], [0, 0, 1, 1], [], []>, precision = #tpu.contract_precision<fp32>, transpose_lhs_hint = false} : vector<512x768xf32>, vector<768x256xf32>, vector<512x256xf32> -> vector<512x256xf32>
    %add3A = vector.broadcast %get3A_7 : vector<1x256xf32> to vector<512x256xf32>
    %add3A_15 = arith.addf %dot_general3A_14, %add3A : vector<512x256xf32>
    %max3A = arith.constant 0.000000e+00 : f32
    %max3A_16 = vector.broadcast %max3A : f32 to vector<512x256xf32>
    %max3A_17 = arith.maximumf %add3A_15, %max3A_16 : vector<512x256xf32>
    %dot_general3A_18 = arith.constant dense<0.000000e+00> : vector<512x128xf32>
    %dot_general3A_19 = tpu.matmul %max3A_17, %get3A_4, %dot_general3A_18 {dimension_numbers = #tpu.dot_dimension_numbers<[1], [0], [0], [1], [0, 0, 1, 1], [], []>, precision = #tpu.contract_precision<fp32>, transpose_lhs_hint = false} : vector<512x256xf32>, vector<256x128xf32>, vector<512x128xf32> -> vector<512x128xf32>
    %add3A_20 = vector.broadcast %get3A_10 : vector<1x128xf32> to vector<512x128xf32>
    %add3A_21 = arith.addf %dot_general3A_19, %add3A_20 : vector<512x128xf32>
    %swap3A = arith.constant 0 : index
    %swap3A_22 = arith.constant 0 : index
    %swap3A_23 = vector.load %arg7[%swap3A, %swap3A_22] : memref<512x128xf32, #tpu.memory_space<vmem>>, vector<512x128xf32>
    tpu.vector_store %arg7[%swap3A, %swap3A_22], %add3A_21 {strides = array<i32>} : memref<512x128xf32, #tpu.memory_space<vmem>>, vector<512x128xf32>,
    %get3A_24 = arith.constant 0 : index
    %get3A_25 = arith.constant 0 : index
    %get3A_26 = vector.load %arg2[%get3A_24, %get3A_25] : memref<512x768xf32, #tpu.memory_space<vmem>>, vector<512x768xf32>
    %dot_general3A_27 = arith.constant dense<0.000000e+00> : vector<512x256xf32>
    %dot_general3A_28 = tpu.matmul %get3A_26, %get3A_1, %dot_general3A_27 {dimension_numbers = #tpu.dot_dimension_numbers<[1], [0], [0], [1], [0, 0, 1, 1], [], []>, precision = #tpu.contract_precision<fp32>, transpose_lhs_hint = false} : vector<512x768xf32>, vector<768x256xf32>, vector<512x256xf32> -> vector<512x256xf32>
    %add3A_29 = vector.broadcast %get3A_7 : vector<1x256xf32> to vector<512x256xf32>
    %add3A_30 = arith.addf %dot_general3A_28, %add3A_29 : vector<512x256xf32>
    %max3A_31 = arith.constant 0.000000e+00 : f32
    %max3A_32 = vector.broadcast %max3A_31 : f32 to vector<512x256xf32>
    %max3A_33 = arith.maximumf %add3A_30, %max3A_32 : vector<512x256xf32>
    %dot_general3A_34 = arith.constant dense<0.000000e+00> : vector<512x128xf32>
    %dot_general3A_35 = tpu.matmul %max3A_33, %get3A_4, %dot_general3A_34 {dimension_numbers = #tpu.dot_dimension_numbers<[1], [0], [0], [1], [0, 0, 1, 1], [], []>, precision = #tpu.contract_precision<fp32>, transpose_lhs_hint = false} : vector<512x256xf32>, vector<256x128xf32>, vector<512x128xf32> -> vector<512x128xf32>
    %add3A_36 = vector.broadcast %get3A_10 : vector<1x128xf32> to vector<512x128xf32>
    %add3A_37 = arith.addf %dot_general3A_35, %add3A_36 : vector<512x128xf32>
    %swap3A_38 = arith.constant 0 : index
    %swap3A_39 = arith.constant 0 : index
    %swap3A_40 = vector.load %arg8[%swap3A_38, %swap3A_39] : memref<512x128xf32, #tpu.memory_space<vmem>>, vector<512x128xf32>
    tpu.vector_store %arg8[%swap3A_38, %swap3A_39], %add3A_37 {strides = array<i32>} : memref<512x128xf32, #tpu.memory_space<vmem>>, vector<512x128xf32>,
    return
  }
  func.func @transform_0(%arg0: i32) -> (i32, i32) {
    %c0_i32 = arith.constant 0 : i32
    %c0_i32_0 = arith.constant 0 : i32
    return %arg0, %c0_i32 : i32, i32
  }
  func.func @transform_1(%arg0: i32) -> (i32, i32) {
    %c0_i32 = arith.constant 0 : i32
    %c0_i32_0 = arith.constant 0 : i32
    return %arg0, %c0_i32 : i32, i32
  }
  func.func @transform_2(%arg0: i32) -> (i32, i32) {
    %c0_i32 = arith.constant 0 : i32
    %c0_i32_0 = arith.constant 0 : i32
    %c0_i32_1 = arith.constant 0 : i32
    return %c0_i32, %c0_i32_0 : i32, i32
  }
  func.func @transform_3(%arg0: i32) -> (i32, i32) {
    %c0_i32 = arith.constant 0 : i32
    %c0_i32_0 = arith.constant 0 : i32
    %c0_i32_1 = arith.constant 0 : i32
    return %c0_i32, %c0_i32_0 : i32, i32
  }
  func.func @transform_4(%arg0: i32) -> (i32, i32) {
    %c0_i32 = arith.constant 0 : i32
    %c0_i32_0 = arith.constant 0 : i32
    %c0_i32_1 = arith.constant 0 : i32
    return %c0_i32, %c0_i32_0 : i32, i32
  }
  func.func @transform_5(%arg0: i32) -> (i32, i32) {
    %c0_i32 = arith.constant 0 : i32
    %c0_i32_0 = arith.constant 0 : i32
    %c0_i32_1 = arith.constant 0 : i32
    return %c0_i32, %c0_i32_0 : i32, i32
  }
  func.func @transform_6(%arg0: i32) -> (i32, i32) {
    %c0_i32 = arith.constant 0 : i32
    %c0_i32_0 = arith.constant 0 : i32
    return %arg0, %c0_i32 : i32, i32
  }
  func.func @transform_7(%arg0: i32) -> (i32, i32) {
    %c0_i32 = arith.constant 0 : i32
    %c0_i32_0 = arith.constant 0 : i32
    return %arg0, %c0_i32 : i32, i32
  }
}

module attributes {stable_mosaic.version = 14 : i64} {
  func.func @_gnn_body(%arg0: i32, %arg1: memref<2x2000x128xf32, #tpu.memory_space<vmem>>, %arg2: memref<2x2000x32xf32, #tpu.memory_space<vmem>>, %arg3: memref<2000x128xf32, #tpu.memory_space<vmem>>, %arg4: memref<32x128xf32, #tpu.memory_space<vmem>>, %arg5: memref<128x128xf32, #tpu.memory_space<vmem>>, %arg6: memref<128x128xf32, #tpu.memory_space<vmem>>, %arg7: memref<2000x128xf32, #tpu.memory_space<vmem>>) attributes {dimension_semantics = [#tpu.dimension_semantics<arbitrary>], iteration_bounds = array<i64: 5>, scalar_prefetch = 0 : i64, scratch_operands = 0 : i64, tpu.core_type = #tpu.core_type<tc>, window_params = [{transform_indices = @transform_0, window_bounds = array<i64: 2, 2000, 128>}, {transform_indices = @transform_1, window_bounds = array<i64: 2, 2000, 32>}, {transform_indices = @transform_2, window_bounds = array<i64: 2000, 128>}, {pipeline_mode = #tpu.pipeline_mode<synchronous>, transform_indices = @transform_3, window_bounds = array<i64: 32, 128>}, {pipeline_mode = #tpu.pipeline_mode<synchronous>, transform_indices = @transform_4, window_bounds = array<i64: 128, 128>}, {pipeline_mode = #tpu.pipeline_mode<synchronous>, transform_indices = @transform_5, window_bounds = array<i64: 128, 128>}, {transform_indices = @transform_6, window_bounds = array<i64: 2000, 128>}]} {
    %get3A = arith.constant 0 : index
    %get3A_0 = arith.constant 0 : index
    %get3A_1 = arith.constant 0 : index
    %get3A_2 = vector.load %arg1[%get3A, %get3A_0, %get3A_1] : memref<2x2000x128xf32, #tpu.memory_space<vmem>>, vector<1x2000x128xf32>
    %get3A_3 = vector.shape_cast %get3A_2 : vector<1x2000x128xf32> to vector<2000x128xf32>
    %get3A_4 = arith.constant 1 : index
    %get3A_5 = arith.constant 0 : index
    %get3A_6 = arith.constant 0 : index
    %get3A_7 = vector.load %arg1[%get3A_4, %get3A_5, %get3A_6] : memref<2x2000x128xf32, #tpu.memory_space<vmem>>, vector<1x2000x128xf32>
    %get3A_8 = vector.shape_cast %get3A_7 : vector<1x2000x128xf32> to vector<2000x128xf32>
    %add3A = arith.addf %get3A_3, %get3A_8 : vector<2000x128xf32>
    %get3A_9 = arith.constant 0 : index
    %get3A_10 = arith.constant 0 : index
    %get3A_11 = arith.constant 0 : index
    %get3A_12 = vector.load %arg2[%get3A_9, %get3A_10, %get3A_11] : memref<2x2000x32xf32, #tpu.memory_space<vmem>>, vector<1x2000x32xf32>
    %get3A_13 = vector.shape_cast %get3A_12 : vector<1x2000x32xf32> to vector<2000x32xf32>
    %get3A_14 = arith.constant 1 : index
    %get3A_15 = arith.constant 0 : index
    %get3A_16 = arith.constant 0 : index
    %get3A_17 = vector.load %arg2[%get3A_14, %get3A_15, %get3A_16] : memref<2x2000x32xf32, #tpu.memory_space<vmem>>, vector<1x2000x32xf32>
    %get3A_18 = vector.shape_cast %get3A_17 : vector<1x2000x32xf32> to vector<2000x32xf32>
    %add3A_19 = arith.addf %get3A_13, %get3A_18 : vector<2000x32xf32>
    %reduce_sum3A = arith.constant dense<0.000000e+00> : vector<2000xf32>
    %reduce_sum3A_20 = vector.multi_reduction <add>, %add3A_19, %reduce_sum3A [1] : vector<2000x32xf32> to vector<2000xf32>
    %broadcast_in_dim3A = vector.shape_cast %reduce_sum3A_20 : vector<2000xf32> to vector<2000x1xf32>
    %get3A_21 = arith.constant 0 : index
    %get3A_22 = arith.constant 0 : index
    %get3A_23 = vector.load %arg4[%get3A_21, %get3A_22] : memref<32x128xf32, #tpu.memory_space<vmem>>, vector<32x128xf32>
    %dot_general3A = arith.constant dense<0.000000e+00> : vector<2000x128xf32>
    %dot_general3A_24 = tpu.matmul %add3A_19, %get3A_23, %dot_general3A {dimension_numbers = #tpu.dot_dimension_numbers<[1], [0], [0], [1], [0, 0, 1, 1], [], []>, precision = #tpu.contract_precision<fp32>, transpose_lhs_hint = false} : vector<2000x32xf32>, vector<32x128xf32>, vector<2000x128xf32> -> vector<2000x128xf32>
    %sub3A = arith.subf %add3A, %dot_general3A_24 : vector<2000x128xf32>
    %get3A_25 = arith.constant 0 : index
    %get3A_26 = arith.constant 0 : index
    %get3A_27 = vector.load %arg5[%get3A_25, %get3A_26] : memref<128x128xf32, #tpu.memory_space<vmem>>, vector<128x128xf32>
    %dot_general3A_28 = arith.constant dense<0.000000e+00> : vector<2000x128xf32>
    %dot_general3A_29 = tpu.matmul %sub3A, %get3A_27, %dot_general3A_28 {dimension_numbers = #tpu.dot_dimension_numbers<[1], [0], [0], [1], [0, 0, 1, 1], [], []>, precision = #tpu.contract_precision<fp32>, transpose_lhs_hint = false} : vector<2000x128xf32>, vector<128x128xf32>, vector<2000x128xf32> -> vector<2000x128xf32>
    %max3A = arith.constant 1.000000e+00 : f32
    %max3A_30 = vector.broadcast %max3A : f32 to vector<2000x1xf32>
    %max3A_31 = arith.maximumf %broadcast_in_dim3A, %max3A_30 : vector<2000x1xf32>
    %div3A = vector.broadcast %max3A_31 : vector<2000x1xf32> to vector<2000x128xf32>
    %div3A_32 = arith.divf %dot_general3A_29, %div3A : vector<2000x128xf32>
    %get3A_33 = arith.constant 0 : index
    %get3A_34 = arith.constant 0 : index
    %get3A_35 = vector.load %arg3[%get3A_33, %get3A_34] : memref<2000x128xf32, #tpu.memory_space<vmem>>, vector<2000x128xf32>
    %get3A_36 = arith.constant 0 : index
    %get3A_37 = arith.constant 0 : index
    %get3A_38 = vector.load %arg6[%get3A_36, %get3A_37] : memref<128x128xf32, #tpu.memory_space<vmem>>, vector<128x128xf32>
    %dot_general3A_39 = arith.constant dense<0.000000e+00> : vector<2000x128xf32>
    %dot_general3A_40 = tpu.matmul %get3A_35, %get3A_38, %dot_general3A_39 {dimension_numbers = #tpu.dot_dimension_numbers<[1], [0], [0], [1], [0, 0, 1, 1], [], []>, precision = #tpu.contract_precision<fp32>, transpose_lhs_hint = false} : vector<2000x128xf32>, vector<128x128xf32>, vector<2000x128xf32> -> vector<2000x128xf32>
    %add3A_41 = arith.addf %div3A_32, %dot_general3A_40 : vector<2000x128xf32>
    %tanh3A = math.tanh %add3A_41 : vector<2000x128xf32>
    %swap3A = arith.constant 0 : index
    %swap3A_42 = arith.constant 0 : index
    %swap3A_43 = vector.load %arg7[%swap3A, %swap3A_42] : memref<2000x128xf32, #tpu.memory_space<vmem>>, vector<2000x128xf32>
    tpu.vector_store %arg7[%swap3A, %swap3A_42], %tanh3A {strides = array<i32>} : memref<2000x128xf32, #tpu.memory_space<vmem>>, vector<2000x128xf32>,
    return
  }
  func.func @transform_0(%arg0: i32) -> (i32, i32, i32) {
    %c0_i32 = arith.constant 0 : i32
    %c0_i32_0 = arith.constant 0 : i32
    %c0_i32_1 = arith.constant 0 : i32
    return %c0_i32, %arg0, %c0_i32_0 : i32, i32, i32
  }
  func.func @transform_1(%arg0: i32) -> (i32, i32, i32) {
    %c0_i32 = arith.constant 0 : i32
    %c0_i32_0 = arith.constant 0 : i32
    %c0_i32_1 = arith.constant 0 : i32
    return %c0_i32, %arg0, %c0_i32_0 : i32, i32, i32
  }
  func.func @transform_2(%arg0: i32) -> (i32, i32) {
    %c0_i32 = arith.constant 0 : i32
    %c0_i32_0 = arith.constant 0 : i32
    return %arg0, %c0_i32 : i32, i32
  }
  func.func @transform_3(%arg0: i32) -> (i32, i32) {
    %c0_i32 = arith.constant 0 : i32
    %c0_i32_0 = arith.constant 0 : i32
    %c0_i32_1 = arith.constant 0 : i32
    return %c0_i32, %c0_i32_0 : i32, i32
  }
  func.func @transform_4(%arg0: i32) -> (i32, i32) {
    %c0_i32 = arith.constant 0 : i32
    %c0_i32_0 = arith.constant 0 : i32
    %c0_i32_1 = arith.constant 0 : i32
    return %c0_i32, %c0_i32_0 : i32, i32
  }
  func.func @transform_5(%arg0: i32) -> (i32, i32) {
    %c0_i32 = arith.constant 0 : i32
    %c0_i32_0 = arith.constant 0 : i32
    %c0_i32_1 = arith.constant 0 : i32
    return %c0_i32, %c0_i32_0 : i32, i32
  }
  func.func @transform_6(%arg0: i32) -> (i32, i32) {
    %c0_i32 = arith.constant 0 : i32
    %c0_i32_0 = arith.constant 0 : i32
    return %arg0, %c0_i32 : i32, i32
  }
}

</mosaic_0001>

<sc_bundles>
// kernel: kernel.5.cloned.1.call-start
scs
__scs_entry_jumppad:
0x0: {  	(pc) =	sbr.rel $0x88, $3  }
0x1: {  	(tag) =	ssettag $0x0;
	lr =	simm.s32 $0x1  }
0x2: {  	[smem:$0x3F95] =	sst lr;
	_ =	strace $0xD0000000  }
0x3: {  	_ = 	snop  }
0x4: {  	_ = 	snop  }
0x5: {  	_ = 	snop  }
0x6: {  	_ = 	snop  }
0x7: {  	_ = 	snop  }
__scs_overlays_trampoline_lowered:
0x8: {  	[smem:$0x3FA4] =	sst s0  }
0x9: {  	[smem:$0x3FA5] =	sst s1  }
0xa: {  	[smem:$0x3FA6] =	sst s2  }
0xb: {  	[smem:$0x3FA7] =	sst s3  }
0xc: {  	[smem:$0x3FA8] =	sst s4  }
0xd: {  	[smem:$0x3FA9] =	sst s5  }
0xe: {  	[smem:$0x3FAA] =	sst s6  }
0xf: {  	[smem:$0x3FAB] =	sst s7  }
0x10: {  	[smem:$0x3FAC] =	sst s8  }
0x11: {  	[smem:$0x3FAD] =	sst s9;
	s0 =	simm.s32 @!p0 $0x0  }
0x12: {  	s1 =	sld [smem:$0x3F93];
	s0 =	simm.s32 @p0 $0x1  }
0x13: {  	[smem:$0x3FAE] =	sst s0;
	s0 =	simm.s32 @!p1 $0x0  }
0x14: {  	s2 =	sld [smem:$0x3F92];
	s0 =	simm.s32 @p1 $0x1  }
0x15: {  	[smem:$0x3FAF] =	sst s0;
	s0 =	simm.s32 @!p2 $0x0  }
0x16: {  	s3 =	sld [smem:$0x3FDB];
	s0 =	simm.s32 @p2 $0x1  }
0x17: {  	s4 =	simm.s32 $0x1BF5;
	[smem:$0x3FB1] =	sst s0  }
0x18: {  	s0 =	sld [smem:$0x3F94];
	_ =	swait.ge [sflag:s4], $0x0  }
0x19: {  	s7 =	sld [smem:$0x3F95]  }
0x1a: {  	s8 =	sadd.s32 $0xFFFFE003, lr  }
0x1b: {  	s9 =	sadd.s32 $0xFFFFFEF7, lr;
	s5 =	simm.s32 $0xFFFFFFFF;
	p2 =	slt.u32 s8, $0xFFFFF086  }
0x1c: {  	p1 =	slt.u32 s9, $0xF7A;
	s5 =	simm.s32 @!p2 $0x0  }
0x1d: {  	s5 =	simm.s32 @p1 $0x1;
	p0 =	seq.s32 s7, s2  }
0x1e: {  	s7 =	smul.u32 @!p0 $0xF7A, s2;
	p2 =	seq.s32 @!p0 s5, $0x0  }
0x1f: {  	s9 =	smul.u32 $0xF7A, s1;
	s8 =	simm.s32 @!p0 $0x1BF5;
	p2 =	por !p2, p0  }
0x20: {  	[sflag:s8] =	ssyncset.s32 @!p0 $0xFFFFF086;
	s6 =	sadd.s32 @!p0 s3, s7;
	s7 =	simm.s32 @!p0 $0x108  }
0x21: {  	s3 =	sadd.s32 s3, s9;
	s6 =	sadd.s32 @!p0 $0x88, s6;
	s7 =	simm.s32 @p2 $0x1082  }
0x22: {  	[simem:s7], [sflag:s8] =	dma.local @!p0 [hbm:s6], $0xF7A  }
0x23: {  	s9 =	sor.u32 $0xD0000000, s2;
	s6 =	simm.s32 $0x108;
	_ =	swait.ge @!p0 [sflag:s8], $0x0  }
0x24: {  	s3 =	sadd.s32 $0x88, s3;
	s6 =	simm.s32 @!p1 $0x1082;
	[sflag:s4] =	ssyncset.s32 $0xFFFFF086  }
0x25: {  	[simem:s6], [sflag:s4] =	dma.local [hbm:s3], $0xF7A  }
0x26: {  	[smem:$0x3F95] =	sst s1;
	(tag) =	ssettag s2;
	_ =	strace s9  }
0x27: {  	s1 =	sld [smem:$0x3FA5]  }
0x28: {  	s2 =	sld [smem:$0x3FA6]  }
0x29: {  	s4 =	sld [smem:$0x3FA8]  }
0x2a: {  	p0 =	seq.s32 s5, $0x0;
	s5 =	sld [smem:$0x3FA9]  }
0x2b: {  	s6 =	sld [smem:$0x3FAA]  }
0x2c: {  	s7 =	sld [smem:$0x3FAB]  }
0x2d: {  	s3 =	simm.s32 $0x108;
	s8 =	sld [smem:$0x3FAC]  }
0x2e: {  	s3 =	simm.s32 @!p0 $0x1082;
	s9 =	sld [smem:$0x3FAD]  }
0x2f: {  	lr =	sadd.s32 s0, s3;
	s0 =	sld [smem:$0x3FA4]  }
0x30: {  	s3 =	sld [smem:$0x3FA7]  }
0x31: {  	[smem:$0x3FB0] =	sst s10  }
0x32: {  	s10 =	sld [smem:$0x3FAE];
	_ =	sdelay $0x3  }
0x33: {  	p0 =	seq.s32 s10, $0x1;
	s10 =	sld [smem:$0x3FB0];
	_ =	sdelay $0x3  }
0x34: {  	[smem:$0x3FB0] =	sst s10  }
0x35: {  	s10 =	sld [smem:$0x3FAF];
	_ =	sdelay $0x3  }
0x36: {  	p1 =	seq.s32 s10, $0x1;
	s10 =	sld [smem:$0x3FB0];
	_ =	sdelay $0x3  }
0x37: {  	[smem:$0x3FB0] =	sst s10  }
0x38: {  	s10 =	sld [smem:$0x3FB1]  }
0x39: {  	_ = 	snop;
	(pc) =	sbr.ind lr, $3  }
0x3a: {  	_ = 	snop  }
0x3b: {  	_ = 	snop  }
0x3c: {  	p2 =	seq.s32 s10, $0x1;
	s10 =	sld [smem:$0x3FB0]  }
0x3d: {  	_ =	shalt  }
0x3e: {  	_ =	shalt  }
0x3f: {  	_ =	shalt  }
0x40: {  	_ =	shalt  }
0x41: {  	_ =	shalt  }
0x42: {  	_ =	shalt  }
0x43: {  	_ =	shalt  }
0x44: {  	_ =	shalt  }
0x45: {  	_ =	shalt  }
0x46: {  	_ =	shalt  }
0x47: {  	_ =	shalt  }
0x48: {  	_ =	shalt  }
0x49: {  	_ =	shalt  }
0x4a: {  	_ =	shalt  }
0x4b: {  	_ =	shalt  }
0x4c: {  	_ =	shalt  }
0x4d: {  	_ =	shalt  }
0x4e: {  	_ =	shalt  }
0x4f: {  	_ =	shalt  }
0x50: {  	_ =	shalt  }
0x51: {  	_ =	shalt  }
0x52: {  	_ =	shalt  }
0x53: {  	_ =	shalt  }
0x54: {  	_ =	shalt  }
0x55: {  	_ =	shalt  }
0x56: {  	_ =	shalt  }
0x57: {  	_ =	shalt  }
0x58: {  	_ =	shalt  }
0x59: {  	_ =	shalt  }
0x5a: {  	_ =	shalt  }
0x5b: {  	_ =	shalt  }
0x5c: {  	_ =	shalt  }
0x5d: {  	_ =	shalt  }
0x5e: {  	_ =	shalt  }
0x5f: {  	_ =	shalt  }
0x60: {  	_ =	shalt  }
0x61: {  	_ =	shalt  }
0x62: {  	_ =	shalt  }
0x63: {  	_ =	shalt  }
0x64: {  	_ =	shalt  }
0x65: {  	_ =	shalt  }
0x66: {  	_ =	shalt  }
0x67: {  	_ =	shalt  }
0x68: {  	_ =	shalt  }
0x69: {  	_ =	shalt  }
0x6a: {  	_ =	shalt  }
0x6b: {  	_ =	shalt  }
0x6c: {  	_ =	shalt  }
0x6d: {  	_ =	shalt  }
0x6e: {  	_ =	shalt  }
0x6f: {  	_ =	shalt  }
0x70: {  	_ =	shalt  }
0x71: {  	_ =	shalt  }
0x72: {  	_ =	shalt  }
0x73: {  	_ =	shalt  }
0x74: {  	_ =	shalt  }
0x75: {  	_ =	shalt  }
0x76: {  	_ =	shalt  }
0x77: {  	_ =	shalt  }
0x78: {  	_ =	shalt  }
0x79: {  	_ =	shalt  }
0x7a: {  	_ =	shalt  }
0x7b: {  	_ =	shalt  }
0x7c: {  	_ =	shalt  }
0x7d: {  	_ =	shalt  }
0x7e: {  	_ =	shalt  }
0x7f: {  	_ =	shalt  }
0x80: {  	_ =	shalt  }
0x81: {  	_ =	shalt  }
0x82: {  	_ =	shalt  }
0x83: {  	_ =	shalt  }
0x84: {  	_ =	shalt  }
0x85: {  	_ =	shalt  }
0x86: {  	_ =	shalt  }
0x87: {  	_ =	shalt  }
.Lfunc_end0:
.L_simem_size_0:
called_computation_lowered:
.L_overlay_start_0:
0x88: {  	s2 =	sld [smem:$0x3FD9]  }
0x89: {  	s3 =	sld [smem:$0x3FFE];
	_ =	sdelay $0x1  }
0x8a: {  	s1 =	srdreg.scid  }
0x8b: {  	s0 =	sand.u32 $0x1, s1  }
0x8c: {  	s14 =	sshll.u32 s0, $0xA;
	s2 =	sadd.s32 s3, s2  }
0x8d: {  	s2 =	sadd.s32 s2, s14  }
0x8e: {  	[smem:$0x3FBC] =	sst s2  }
0x8f: {  	_ = 	snop  }
0x90: {  	s2 =	sld [smem:$0x3FD0];
	_ =	sdelay $0x2  }
0x91: {  	s4 =	simm.s32 $0xA;
	s5 =	simm.s32 $0x10;
	s15 =	sld [smem:$0x3FC9]  }
0x92: {  	[smem:s5], [sflag:s4] =	dma.local [hbm:s2], $0x1  }
0x93: {  	_ =	swait.eq [sflag:s4], $0x1  }
0x94: {  	[sflag:s4] =	ssyncset.done $0x0  }
0x95: {  	[sflag:s4] =	ssyncadd.s32 $0xFFFFFFFF  }
0x96: {  	s16 =	sld [smem:$0x10];
	(tm) =	ssettm $0x1  }
0x97: {  	s17 =	sld [smem:$0x3FFB];
	_ =	sdelay $0x3  }
0x98: {  	_ =	strace s17  }
0x99: {  	s4 =	sld [smem:$0x3FFC];
	_ =	sdelay $0x3  }
0x9a: {  	_ =	strace s4  }
0x9b: {  	s4 =	sld [smem:$0x3FFD];
	_ =	sdelay $0x3  }
0x9c: {  	_ =	strace s4  }
0x9d: {  	_ =	strace $0x8FFFFFFF  }
0x9e: {  	s18 =	sld [smem:$0x3FDB];
	_ =	sdelay $0x1  }
0x9f: {  	s19 =	simm.s32 $_scs_section_size  }
0xa0: {  	s6 =	simm.s32 $_size__tile_overlayer_lowered;
	s7 =	simm.s32 $_tile_overlayer_lowered  }
0xa1: {  	s22 =	simm.s32 $0x1BFF;
	s21 =	sshll.u32 s7, $0x1;
	s4 =	sadd.s32 s19, s18  }
0xa2: {  	s8 =	simm.s32 $0x0;
	s20 =	sshll.u32 s6, $0x1;
	s6 =	sadd.s32 s21, s4  }
0xa3: {  	[timem:s8], [sflag:s22] =	dma.local [hbm:s6], s20  }
0xa4: {  	_ =	swait.ge [sflag:s22], s20  }
0xa5: {  	s5 =	ssub.s32 $0x0, s20;
	[sflag:s22] =	ssyncset.done $0x0  }
0xa6: {  	[sflag:s22] =	ssyncadd.s32 s5;
	_ =	sdelay $0x1  }
0xa7: {  	s23 =	simm.s32 $0x1B8B  }
0xa8: {  	_ =	swait.ge [sflag:s23], $0x1  }
0xa9: {  	[sflag:s23] =	ssyncset.done $0x0  }
0xaa: {  	s25 =	simm.s32 $0x1B8E;
	s24 =	sld [smem:$0x3FFE];
	[sflag:s23] =	ssyncadd.s32 $0xFFFFFFFF  }
0xab: {  	s26 =	simm.s32 $execute0_lowered;
	[smem:$0x3FD2] =	sst s25  }
0xac: {  	s6 =	sshll.u32 s26, $0x1;
	_ =	strace $0x80000046;
	[dreg:$0x1] =	wrdreg $0xFFFFFFFF  }
0xad: {  	s28 =	simm.s32 $_size_execute0_lowered;
	s4 =	sadd.s32 s4, s6;
	[dreg:$0x0] =	wrdreg $0x0  }
0xae: {  	s6 =	sshll.u32 s28, $0x1;
	[dreg:$0x2] =	wrdreg s4  }
0xaf: {  	[dreg:$0x3] =	wrdreg s6  }
0xb0: {  	[dreg:$0x4] =	wrdreg $0xC0  }
0xb1: {  	_ =	task [dreg:s8], $0x5FFFF  }
0xb2: {  	[dreg:$0x1] =	wrdreg $0xFFFFFFFF  }
0xb3: {  	[dreg:$0x0] =	wrdreg $0x60  }
0xb4: {  	[dreg:$0x2] =	wrdreg s15  }
0xb5: {  	[dreg:$0x3] =	wrdreg s16  }
0xb6: {  	[dreg:$0x4] =	wrdreg s24  }
0xb7: {  	[dreg:$0x5] =	wrdreg $0x5D800  }
0xb8: {  	[dreg:$0x6] =	wrdreg $0x19D800  }
0xb9: {  	[dreg:$0x7] =	wrdreg $0x9  }
0xba: {  	_ =	task.clear_ibuf [dreg:s8], $0x8FFFF;
	_ =	strace $0x90000046  }
0xbb: {  	s29 =	simm.s32 $0x9;
	_ =	strace $0x80000048  }
0xbc: {  	_ =	swait.ge [sflag:s29], $0x1  }
0xbd: {  	[sflag:s29] =	ssyncadd.s32 $0xFFFFFFFF  }
0xbe: {  	_ =	strace $0x90000048  }
0xbf: {  	_ =	sfence  }
0xc0: {  	s30 =	sld [smem:$0x0];
	_ =	sdelay $0x2  }
0xc1: {  	s31 =	sshll.u32 s1, $0xD;
	s1 =	sshrl.u32 s1, $0x2  }
0xc2: {  	s3 =	sand.u32 $0x4000, s31;
	s1 =	sadd.s32 s1, s30  }
0xc3: {  	s0 =	sor.u32 s3, s0;
	s1 =	sshll.u32 s1, $0x11  }
0xc4: {  	s0 =	sor.u32 s1, s0  }
0xc5: {  	s0 =	sadd.s32 $0x8F2B, s0  }
0xc6: {  	[sflag:s0] =	ssyncadd.remote.s32 $0x1  }
0xc7: {  	_ =	sfence.sel $0xFFFF  }
0xc8: {  	[dreg:$0x0] =	wrdreg $0xFFFFFFFF;
	(pc) =	sbr.abs _section_cstart, $3  }
0xc9: {  	[dreg:$0x1] =	wrdreg $0xFFFFFFFF  }
0xca: {  	_ =	task.clear_ibuf [dreg:s8], $0x2FFFF;
	_ =	strace $0x9FFFFFFF  }
0xcb: {  	(tm) =	ssettm $0x7FFFFFFF  }
tec
execute0_lowered:
.L_overlay_start_1:
0x0: {  	(tag) =	ssettag $0x1  }
0x1: {  	s1 =	rddreg [dreg:$0x0]  }
0x2: {  	s0 =	rddreg [dreg:$0x1]  }
0x3: {  	s2 =	rddreg [dreg:$0x2]  }
0x4: {  	s14 =	stileid.u32;
	s4 =	srdreg.scid  }
0x5: {  	s3 =	rddreg [dreg:$0x3];
	s5 =	smul.u32 $0x30, s14  }
0x6: {  	s6 =	sand.u32 $0x1, s4;
	s4 =	rddreg [dreg:$0x4];
	s10 =	smul.u32 $0x50000, s14  }
0x7: {  	p0 =	seq.s32 s6, $0x0;
	s25 =	smul.u32 $0x28000, s6;
	s11 =	sshll.u32 s6, $0x4  }
0x8: {  	s6 =	ssub.s32 $0x2, s6;
	s8 =	sadd.s32 $0x1100, s5;
	s5 =	simm.s32 $0x0  }
0x9: {  	s26 =	sshrl.u32 s6, $0x1;
	s10 =	sshrl.u32 s10, $0x2;
	[smem:$0x7FF] =	sst s5  }
0xa: {  	s13 =	sadd.s32 s25, s2;
	s6 =	ssub.s32 s6, s26;
	s25 =	sadd.s32 s10, s3  }
0xb: {  	_ =	strace $0x80000047;
	s6 =	smax.u32 s6, $0x1;
	[dreg:$0x6] =	wrdreg s25  }
0xc: {  	s16 =	sadd.s32 $0x2000, s25;
	[dreg:$0x8] =	wrdreg s6  }
0xd: {  	s17 =	sadd.s32 $0x4000, s25;
	[dreg:$0x9] =	wrdreg s16  }
0xe: {  	s18 =	sadd.s32 $0x6000, s25;
	[dreg:$0xa] =	wrdreg s17  }
0xf: {  	s7 =	smul.u32 $0x110, s14;
	s19 =	sadd.s32 $0x8000, s25;
	[dreg:$0xb] =	wrdreg s18  }
0x10: {  	s12 =	smul.u32 $0x14000, s14;
	s20 =	sadd.s32 $0xA000, s25;
	[dreg:$0xc] =	wrdreg s19  }
0x11: {  	s8 =	smov.u32 @p0 s7;
	s21 =	sadd.s32 $0xC000, s25;
	[dreg:$0xd] =	wrdreg s20  }
0x12: {  	s7 =	sshll.u32 s8, $0x4;
	s22 =	sadd.s32 $0xE000, s25;
	[dreg:$0xe] =	wrdreg s21  }
0x13: {  	s23 =	sadd.s32 $0x10000, s25;
	s24 =	sadd.s32 $0x12000, s25;
	[dreg:$0xf] =	wrdreg s22  }
0x14: {  	s9 =	sadd.s32 s7, s2;
	s2 =	sadd.s32 s11, s2;
	[dreg:$0x10] =	wrdreg s23  }
0x15: {  	s11 =	sshrl.u32 s12, $0x2;
	[dreg:$0x11] =	wrdreg s24;
	s0 =	sadd.s32 s7, s0  }
0x16: {  	s30 =	sadd.s32 s11, s4;
	[dreg:$0x12] =	wrdreg s0;
	s11 =	sadd.s32 $0x16800, s9  }
0x17: {  	s12 =	sadd.s32 $0x3E800, s13;
	s13 =	smul.u32 $0x2800, s14;
	[dreg:$0x17] =	wrdreg s11  }
0x18: {  	s26 =	sadd.s32 $0x500, s30;
	[dreg:$0x7] =	wrdreg s30  }
0x19: {  	s15 =	smul.u32 $0x1400, s14;
	s6 =	sadd.s32 s13, s12;
	[dreg:$0x13] =	wrdreg s26  }
0x1a: {  	s2 =	sadd.s32 $0x2A800, s2;
	s7 =	sadd.s32 $0xA00, s30;
	[dreg:$0x14] =	wrdreg s6  }
0x1b: {  	s10 =	sadd.s32 s15, s2;
	[dreg:$0x15] =	wrdreg s7  }
0x1c: {  	s12 =	sadd.s32 $0x2800, s9;
	[dreg:$0x16] =	wrdreg s10  }
0x1d: {  	s13 =	sadd.s32 $0xF00, s30;
	[dreg:$0x18] =	wrdreg s12  }
0x1e: {  	s14 =	sadd.s32 $0x1400, s30;
	[dreg:$0x19] =	wrdreg s13  }
0x1f: {  	s15 =	sadd.s32 $0x1900, s30;
	[dreg:$0x1a] =	wrdreg s14  }
0x20: {  	s16 =	sadd.s32 $0x1E00, s30;
	[dreg:$0x1b] =	wrdreg s15  }
0x21: {  	s17 =	sadd.s32 $0x2300, s30;
	[dreg:$0x1c] =	wrdreg s16  }
0x22: {  	s18 =	sadd.s32 $0x2800, s30;
	[dreg:$0x1d] =	wrdreg s17  }
0x23: {  	s28 =	simm.s32 $0x2;
	s19 =	sadd.s32 $0x2D00, s30;
	[dreg:$0x1e] =	wrdreg s18  }
0x24: {  	s29 =	simm.s32 $0x3;
	s20 =	sadd.s32 $0x3200, s30;
	[dreg:$0x1f] =	wrdreg s19  }
0x25: {  	s31 =	simm.s32 $0x4;
	s21 =	sadd.s32 $0x3700, s30;
	[smem:$0x7F8] =	sst s20  }
0x26: {  	s8 =	simm.s32 $0x11;
	s22 =	sadd.s32 $0x3C00, s30;
	[smem:$0x7F9] =	sst s21  }
0x27: {  	s8 =	simm.s32 @!p0 $0x3;
	s23 =	sadd.s32 $0x4100, s30;
	[smem:$0x7FA] =	sst s22  }
0x28: {  	s0 =	simm.s32 $0x0;
	s24 =	sadd.s32 $0x4600, s30;
	[smem:$0x7FB] =	sst s23  }
0x29: {  	s11 =	simm.s32 $0xE80;
	[smem:$0x7FC] =	sst s24;
	s26 =	sadd.s32 $0x4B00, s30  }
0x2a: {  	s15 =	simm.s32 $0x1800;
	s16 =	simm.s32 $0x6;
	s18 =	simm.s32 $0x800  }
.Ltmp0:
0x2b: {  	s20 =	simm.s32 $0x1000;
	s21 =	simm.s32 $0x40;
	(pc) =	sbr.rel .LBB2_1-.Ltmp0, $4  }
0x2c: {  	s22 =	simm.s32 $0x1;
	s19 =	simm.s32 $0x3800;
	s10 =	simm.s32 $0x700  }
0x2d: {  	s12 =	simm.s32 $0x1680;
	s13 =	simm.s32 $0x780;
	s14 =	simm.s32 $0xF00  }
0x2e: {  	s6 =	simm.s32 $0x1700;
	s7 =	simm.s32 $0xF80;
	s17 =	simm.s32 $0x1780  }
0x2f: {  	v0 =	vimm.f32 $0.0e+00;
	v1 =	vimm.f32 $1.000000000e+00;
	s23 =	simm.s32 $0x5;
	[smem:$0x7FD] =	sst s26;
	s26 =	simm.s32 $0x5800  }
.LBB2_9:
0x30: {  	s2 =	stileid.u32;
	[bflag:$0x0] =	sbarrier.arrive $0xFFFF  }
0x31: {  	s2 =	sshll.u32 s2, $0x6;
	s25 =	rddreg [dreg:$0x6]  }
0x32: {  	s30 =	rddreg [dreg:$0x14];
	s2 =	sor.u32 $0x1C06, s2;
	s24 =	sshrl.u32 s25, $0x3  }
0x33: {  	[hbm:s30], [sflag:s2] =	dma.local [spmem:s24], $0x2800  }
0x34: {  	s9 =	simm.s32 $0x20;
	_ =	swait.ge [sflag:s16], $0x2800  }
0x35: {  	s10 =	simm.s32 $0x10;
	[sflag:s16] =	ssyncset.done $0x0;
	s30 =	rddreg [dreg:$0x7]  }
0x36: {  	s0 =	rddreg [dreg:$0x16];
	[sflag:s16] =	ssyncadd.s32 $0xFFFFD800;
	s24 =	sshrl.u32 s30, $0x3  }
0x37: {  	[hbm:s0@s9], [sflag:s2] =	dma.strided [spmem:s24@s10], $0xA00, s22, $0x10   }
0x38: {  	_ =	swait.ge [sflag:s16], $0xA00  }
0x39: {  	s9 =	sld [smem:$0x7F7];
	_ =	sdelay $0x2  }
0x3a: {  	s24 =	rddreg [dreg:$0x8];
	s0 =	sadd.s32 $0x1, s9  }
0x3b: {  	p0 =	sne.s32 s0, s24  }
.Ltmp1:
0x3c: {  	_ = 	snop;
	(pc) =	sbr.rel @!p0 .LBB2_10-.Ltmp1, $3  }
0x3d: {  	_ =	sdelay $0x1  }
0x3e: {  	[sflag:s16] =	ssyncset.done $0x0  }
0x3f: {  	s10 =	simm.s32 $0x700;
	[sflag:s16] =	ssyncadd.s32 $0xFFFFF600  }
.LBB2_1:
0x40: {  	s2 =	simm.s32 $0x0;
	s24 =	simm.s32 $0x200  }
.LBB2_2:
0x41: {  	p0 =	sne.s32 s24, $0x7E00;
	[tilespmem:s2+$0x1870] =	vst v0  }
0x42: {  	[tilespmem:s2+$0x1800] =	vst v0  }
0x43: {  	[tilespmem:s2+$0x1810] =	vst v0  }
.Ltmp2:
0x44: {  	[tilespmem:s2+$0x1820] =	vst v0;
	(pc) =	sbr.rel @p0 .LBB2_2-.Ltmp2, $4  }
0x45: {  	[tilespmem:s2+$0x1830] =	vst v0  }
0x46: {  	[tilespmem:s2+$0x1840] =	vst v0  }
0x47: {  	[tilespmem:s2+$0x1850] =	vst v0  }
0x48: {  	[tilespmem:s2+$0x1860] =	vst v0;
	s2 =	sshra.s32 s24, $0x2;
	s24 =	sadd.s32 $0x200, s24  }
0x49: {  	[tilespmem:s2+$0x1870] =	vst v0  }
0x4a: {  	[tilespmem:s2+$0x1800] =	vst v0  }
0x4b: {  	[tilespmem:s2+$0x1810] =	vst v0  }
0x4c: {  	[tilespmem:s2+$0x1820] =	vst v0  }
0x4d: {  	[tilespmem:s2+$0x1830] =	vst v0  }
0x4e: {  	[tilespmem:s2+$0x1840] =	vst v0  }
0x4f: {  	[tilespmem:s2+$0x1850] =	vst v0  }
0x50: {  	[smem:$0x7F7] =	sst s0;
	[tilespmem:s2+$0x1860] =	vst v0;
	s2 =	simm.s32 $0x40;
	s24 =	simm.s32 $0x0  }
.LBB2_4:
0x51: {  	p0 =	sne.s32 s2, $0x13C0;
	[tilespmem:s24+$0x5880] =	vst v0;
	s24 =	smov.u32 s2;
	s2 =	sadd.s32 $0x40, s2  }
.Ltmp3:
0x52: {  	(pc) =	sbr.rel @p0 .LBB2_4-.Ltmp3, $2  }
0x53: {  	_ =	sdelay $0x2  }
0x54: {  	s24 =	sshra.s32 s24, $0x2  }
0x55: {  	[tilespmem:s24+$0x5880] =	vst v0  }
0x56: {  	[tilespmem:$0x5800] =	vst v1  }
0x57: {  	[tilespmem:$0x5810] =	vst v1  }
0x58: {  	[tilespmem:$0x5820] =	vst v1  }
0x59: {  	[tilespmem:$0x5830] =	vst v1  }
0x5a: {  	[spmem:s25] =	stream.linear.scatter [tilespmem:s15], [sflag:$0x6], $0x2000, $0x38;
	[tilespmem:$0x1ED80] =	vst v63  }
0x5b: {  	_ =	swait.ge [sflag:s16], $0x2000  }
0x5c: {  	[sflag:s16] =	ssyncset.done $0x0  }
0x5d: {  	s2 =	rddreg [dreg:$0x9];
	[sflag:s16] =	ssyncadd.s32 $0xFFFFE000  }
0x5e: {  	[spmem:s2] =	stream.linear.scatter [tilespmem:s15], [sflag:$0x6], $0x2000, $0x38;
	[tilespmem:$0x1ED80] =	vst v63  }
0x5f: {  	_ =	swait.ge [sflag:s16], $0x2000  }
0x60: {  	[sflag:s16] =	ssyncset.done $0x0  }
0x61: {  	s25 =	rddreg [dreg:$0xa];
	[sflag:s16] =	ssyncadd.s32 $0xFFFFE000  }
0x62: {  	[spmem:s25] =	stream.linear.scatter [tilespmem:s15], [sflag:$0x6], $0x2000, $0x38;
	[tilespmem:$0x1ED80] =	vst v63  }
0x63: {  	_ =	swait.ge [sflag:s16], $0x2000  }
0x64: {  	[sflag:s16] =	ssyncset.done $0x0  }
0x65: {  	s0 =	rddreg [dreg:$0xb];
	[sflag:s16] =	ssyncadd.s32 $0xFFFFE000  }
0x66: {  	[spmem:s0] =	stream.linear.scatter [tilespmem:s15], [sflag:$0x6], $0x2000, $0x38;
	[tilespmem:$0x1ED80] =	vst v63  }
0x67: {  	_ =	swait.ge [sflag:s16], $0x2000  }
0x68: {  	[sflag:s16] =	ssyncset.done $0x0  }
0x69: {  	s9 =	rddreg [dreg:$0xc];
	[sflag:s16] =	ssyncadd.s32 $0xFFFFE000  }
0x6a: {  	[spmem:s9] =	stream.linear.scatter [tilespmem:s15], [sflag:$0x6], $0x2000, $0x38;
	[tilespmem:$0x1ED80] =	vst v63  }
0x6b: {  	_ =	swait.ge [sflag:s16], $0x2000  }
0x6c: {  	[sflag:s16] =	ssyncset.done $0x0  }
0x6d: {  	s24 =	rddreg [dreg:$0xd];
	[sflag:s16] =	ssyncadd.s32 $0xFFFFE000  }
0x6e: {  	[spmem:s24] =	stream.linear.scatter [tilespmem:s15], [sflag:$0x6], $0x2000, $0x38;
	[tilespmem:$0x1ED80] =	vst v63  }
0x6f: {  	_ =	swait.ge [sflag:s16], $0x2000  }
0x70: {  	[sflag:s16] =	ssyncset.done $0x0  }
0x71: {  	s25 =	rddreg [dreg:$0xe];
	[sflag:s16] =	ssyncadd.s32 $0xFFFFE000  }
0x72: {  	[spmem:s25] =	stream.linear.scatter [tilespmem:s15], [sflag:$0x6], $0x2000, $0x38;
	[tilespmem:$0x1ED80] =	vst v63  }
0x73: {  	_ =	swait.ge [sflag:s16], $0x2000  }
0x74: {  	[sflag:s16] =	ssyncset.done $0x0  }
0x75: {  	s0 =	rddreg [dreg:$0xf];
	[sflag:s16] =	ssyncadd.s32 $0xFFFFE000  }
0x76: {  	[spmem:s0] =	stream.linear.scatter [tilespmem:s15], [sflag:$0x6], $0x2000, $0x38;
	[tilespmem:$0x1ED80] =	vst v63  }
0x77: {  	_ =	swait.ge [sflag:s16], $0x2000  }
0x78: {  	[sflag:s16] =	ssyncset.done $0x0  }
0x79: {  	s9 =	rddreg [dreg:$0x10];
	[sflag:s16] =	ssyncadd.s32 $0xFFFFE000  }
0x7a: {  	[spmem:s9] =	stream.linear.scatter [tilespmem:s15], [sflag:$0x6], $0x2000, $0x38;
	[tilespmem:$0x1ED80] =	vst v63  }
0x7b: {  	_ =	swait.ge [sflag:s16], $0x2000  }
0x7c: {  	[sflag:s16] =	ssyncset.done $0x0  }
0x7d: {  	s24 =	rddreg [dreg:$0x11];
	[sflag:s16] =	ssyncadd.s32 $0xFFFFE000  }
0x7e: {  	[spmem:s24] =	stream.linear.scatter [tilespmem:s15], [sflag:$0x6], $0x2000, $0x38;
	[tilespmem:$0x1ED80] =	vst v63  }
0x7f: {  	_ =	swait.ge [sflag:s16], $0x2000  }
0x80: {  	[sflag:s16] =	ssyncset.done $0x0  }
0x81: {  	s24 =	simm.s32 $0x5880;
	[sflag:s16] =	ssyncadd.s32 $0xFFFFE000  }
0x82: {  	[spmem:s30] =	stream.linear.scatter [tilespmem:s24], [sflag:$0x6], $0x500, $0x38;
	[tilespmem:$0x1ED80] =	vst v63  }
0x83: {  	_ =	swait.ge [sflag:s16], $0x500  }
0x84: {  	[sflag:s16] =	ssyncset.done $0x0  }
0x85: {  	s25 =	rddreg [dreg:$0x13];
	[sflag:s16] =	ssyncadd.s32 $0xFFFFFB00  }
0x86: {  	[spmem:s25] =	stream.linear.scatter [tilespmem:s24], [sflag:$0x6], $0x500, $0x38;
	[tilespmem:$0x1ED80] =	vst v63  }
0x87: {  	_ =	swait.ge [sflag:s16], $0x500  }
0x88: {  	[sflag:s16] =	ssyncset.done $0x0  }
0x89: {  	s0 =	rddreg [dreg:$0x15];
	[sflag:s16] =	ssyncadd.s32 $0xFFFFFB00  }
0x8a: {  	[spmem:s0] =	stream.linear.scatter [tilespmem:s24], [sflag:$0x6], $0x500, $0x38;
	[tilespmem:$0x1ED80] =	vst v63  }
0x8b: {  	_ =	swait.ge [sflag:s16], $0x500  }
0x8c: {  	[sflag:s16] =	ssyncset.done $0x0  }
0x8d: {  	s0 =	rddreg [dreg:$0x19];
	[sflag:s16] =	ssyncadd.s32 $0xFFFFFB00  }
0x8e: {  	[spmem:s0] =	stream.linear.scatter [tilespmem:s24], [sflag:$0x6], $0x500, $0x38;
	[tilespmem:$0x1ED80] =	vst v63  }
0x8f: {  	_ =	swait.ge [sflag:s16], $0x500  }
0x90: {  	[sflag:s16] =	ssyncset.done $0x0  }
0x91: {  	s2 =	rddreg [dreg:$0x1a];
	[sflag:s16] =	ssyncadd.s32 $0xFFFFFB00  }
0x92: {  	[spmem:s2] =	stream.linear.scatter [tilespmem:s24], [sflag:$0x6], $0x500, $0x38;
	[tilespmem:$0x1ED80] =	vst v63  }
0x93: {  	_ =	swait.ge [sflag:s16], $0x500  }
0x94: {  	[sflag:s16] =	ssyncset.done $0x0  }
0x95: {  	s9 =	rddreg [dreg:$0x1b];
	[sflag:s16] =	ssyncadd.s32 $0xFFFFFB00  }
0x96: {  	[spmem:s9] =	stream.linear.scatter [tilespmem:s24], [sflag:$0x6], $0x500, $0x38;
	[tilespmem:$0x1ED80] =	vst v63  }
0x97: {  	_ =	swait.ge [sflag:s16], $0x500  }
0x98: {  	[sflag:s16] =	ssyncset.done $0x0  }
0x99: {  	s25 =	rddreg [dreg:$0x1c];
	[sflag:s16] =	ssyncadd.s32 $0xFFFFFB00  }
0x9a: {  	[spmem:s25] =	stream.linear.scatter [tilespmem:s24], [sflag:$0x6], $0x500, $0x38;
	[tilespmem:$0x1ED80] =	vst v63  }
0x9b: {  	_ =	swait.ge [sflag:s16], $0x500  }
0x9c: {  	[sflag:s16] =	ssyncset.done $0x0  }
0x9d: {  	s2 =	rddreg [dreg:$0x1d];
	[sflag:s16] =	ssyncadd.s32 $0xFFFFFB00  }
0x9e: {  	[spmem:s2] =	stream.linear.scatter [tilespmem:s24], [sflag:$0x6], $0x500, $0x38;
	[tilespmem:$0x1ED80] =	vst v63  }
0x9f: {  	_ =	swait.ge [sflag:s16], $0x500  }
0xa0: {  	[sflag:s16] =	ssyncset.done $0x0  }
0xa1: {  	s9 =	rddreg [dreg:$0x1e];
	[sflag:s16] =	ssyncadd.s32 $0xFFFFFB00  }
0xa2: {  	[spmem:s9] =	stream.linear.scatter [tilespmem:s24], [sflag:$0x6], $0x500, $0x38;
	[tilespmem:$0x1ED80] =	vst v63  }
0xa3: {  	_ =	swait.ge [sflag:s16], $0x500  }
0xa4: {  	[sflag:s16] =	ssyncset.done $0x0  }
0xa5: {  	s25 =	rddreg [dreg:$0x1f];
	[sflag:s16] =	ssyncadd.s32 $0xFFFFFB00  }
0xa6: {  	[spmem:s25] =	stream.linear.scatter [tilespmem:s24], [sflag:$0x6], $0x500, $0x38;
	[tilespmem:$0x1ED80] =	vst v63  }
0xa7: {  	_ =	swait.ge [sflag:s16], $0x500  }
0xa8: {  	s2 =	sld [smem:$0x7F8]  }
0xa9: {  	[sflag:s16] =	ssyncset.done $0x0  }
0xaa: {  	[sflag:s16] =	ssyncadd.s32 $0xFFFFFB00  }
0xab: {  	[spmem:s2] =	stream.linear.scatter [tilespmem:s24], [sflag:$0x6], $0x500, $0x38;
	[tilespmem:$0x1ED80] =	vst v63  }
0xac: {  	_ =	swait.ge [sflag:s16], $0x500  }
0xad: {  	s9 =	sld [smem:$0x7F9]  }
0xae: {  	[sflag:s16] =	ssyncset.done $0x0  }
0xaf: {  	[sflag:s16] =	ssyncadd.s32 $0xFFFFFB00  }
0xb0: {  	[spmem:s9] =	stream.linear.scatter [tilespmem:s24], [sflag:$0x6], $0x500, $0x38;
	[tilespmem:$0x1ED80] =	vst v63  }
0xb1: {  	_ =	swait.ge [sflag:s16], $0x500  }
0xb2: {  	s25 =	sld [smem:$0x7FA]  }
0xb3: {  	[sflag:s16] =	ssyncset.done $0x0  }
0xb4: {  	[sflag:s16] =	ssyncadd.s32 $0xFFFFFB00  }
0xb5: {  	[spmem:s25] =	stream.linear.scatter [tilespmem:s24], [sflag:$0x6], $0x500, $0x38;
	[tilespmem:$0x1ED80] =	vst v63  }
0xb6: {  	_ =	swait.ge [sflag:s16], $0x500  }
0xb7: {  	s2 =	sld [smem:$0x7FB]  }
0xb8: {  	[sflag:s16] =	ssyncset.done $0x0  }
0xb9: {  	[sflag:s16] =	ssyncadd.s32 $0xFFFFFB00  }
0xba: {  	[spmem:s2] =	stream.linear.scatter [tilespmem:s24], [sflag:$0x6], $0x500, $0x38;
	[tilespmem:$0x1ED80] =	vst v63  }
0xbb: {  	_ =	swait.ge [sflag:s16], $0x500  }
0xbc: {  	s9 =	sld [smem:$0x7FC]  }
0xbd: {  	[sflag:s16] =	ssyncset.done $0x0  }
0xbe: {  	[sflag:s16] =	ssyncadd.s32 $0xFFFFFB00  }
0xbf: {  	[spmem:s9] =	stream.linear.scatter [tilespmem:s24], [sflag:$0x6], $0x500, $0x38;
	[tilespmem:$0x1ED80] =	vst v63  }
0xc0: {  	_ =	swait.ge [sflag:s16], $0x500  }
0xc1: {  	s25 =	sld [smem:$0x7FD]  }
0xc2: {  	[sflag:s16] =	ssyncset.done $0x0  }
0xc3: {  	[sflag:s16] =	ssyncadd.s32 $0xFFFFFB00  }
0xc4: {  	[spmem:s25] =	stream.linear.scatter [tilespmem:s24], [sflag:$0x6], $0x500, $0x38;
	[tilespmem:$0x1ED80] =	vst v63  }
0xc5: {  	_ =	swait.ge [sflag:s16], $0x500  }
0xc6: {  	[sflag:s16] =	ssyncset.done $0x0  }
.Ltmp4:
0xc7: {  	[sflag:s16] =	ssyncadd.s32 $0xFFFFFB00;
	(pc) =	sbr.rel .LBB2_6-.Ltmp4, $4  }
0xc8: {  	[bflag:$0x0] =	sbarrier.arrive $0xFFFF  }
0xc9: {  	s30 =	rddreg [dreg:$0x18]  }
0xca: {  	s25 =	rddreg [dreg:$0x17]  }
0xcb: {  	s0 =	simm.s32 $0x80;
	s24 =	simm.s32 $0x0;
	s2 =	rddreg [dreg:$0x12]  }
.LBB2_8:
0xcc: {  	s24 =	sadd.s32 $0x1, s24  }
0xcd: {  	p0 =	sne.s32 s24, $0x11  }
.Ltmp5:
0xce: {  	_ = 	snop;
	(pc) =	sbr.rel @!p0 .LBB2_9-.Ltmp5, $2  }
0xcf: {  	_ =	sdelay $0x2  }
0xd0: {  	s2 =	sadd.s32 $0x100, s2;
	s25 =	sadd.s32 $0x100, s25;
	s30 =	sadd.s32 $0x100, s30  }
.LBB2_6:
0xd1: {  	p0 =	sge.u32 s24, s8  }
.Ltmp6:
0xd2: {  	_ = 	snop;
	(pc) =	sbr.rel @p0 .LBB2_8-.Ltmp6, $1  }
0xd3: {  	_ =	sdelay $0x3  }
0xd4: {  	[tilespmem:s5], [sflag:$0x6] =	stream.linear.gather [hbm4b:s2+s5], $0x800, $0x38;
	[tilespmem:$0x1ED80] =	vst v63  }
0xd5: {  	_ =	swait.ge [sflag:s16], $0x800  }
0xd6: {  	[sflag:s16] =	ssyncset.done $0x0  }
0xd7: {  	[sflag:s16] =	ssyncadd.s32 $0xFFFFF800  }
0xd8: {  	[tilespmem:s18], [sflag:$0x6] =	stream.linear.gather [hbm4b:s25+s5], $0x800, $0x38;
	[tilespmem:$0x1ED80] =	vst v63  }
0xd9: {  	_ =	swait.ge [sflag:s16], $0x800  }
0xda: {  	[sflag:s16] =	ssyncset.done $0x0  }
0xdb: {  	[sflag:s16] =	ssyncadd.s32 $0xFFFFF800  }
0xdc: {  	[tilespmem:s20], [sflag:$0x6] =	stream.linear.gather [hbm4b:s30+s5], $0x800, $0x38;
	[tilespmem:$0x1ED80] =	vst v63  }
0xdd: {  	_ =	swait.ge [sflag:s16], $0x800  }
0xde: {  	[sflag:s16] =	ssyncset.done $0x0  }
0xdf: {  	[sflag:s16] =	ssyncadd.s32 $0xFFFFF800  }
0xe0: {  	[tilespmem:s15], [sflag:$0x1] =	stream.indirect.gather [hbm4b:s1+s21], $0x80, s5, s21, $0xb8;
	[tilespmem:$0x1ED80] =	vst v63  }
0xe1: {  	_ =	swait.ge [sflag:s22], $0x2000  }
0xe2: {  	[sflag:s22] =	ssyncset.done $0x0  }
0xe3: {  	[sflag:s22] =	ssyncadd.s32 $0xFFFFE000  }
0xe4: {  	[tilespmem:s19], [sflag:$0x2] =	stream.indirect.gather [hbm4b:s1+s21], $0x80, s0, s21, $0xb8;
	[tilespmem:$0x1ED80] =	vst v63  }
0xe5: {  	_ = 	snop  }
0xe6: {  	[spmem:s3] =	stream.indirect.scatter.add.f32 [tilespmem:s15], [sflag:$0x3], $0x80, s18, s21, $0xb8;
	[tilespmem:$0x1ED80] =	vst v63  }
0xe7: {  	_ = 	snop  }
0xe8: {  	[spmem:s4] =	stream.indirect.scatter.add.f32 [tilespmem:s26], [sflag:$0x5], $0x1, s20, s21, $0xb8;
	[tilespmem:$0x1ED80] =	vst v63  }
0xe9: {  	_ =	swait.ge [sflag:s28], $0x2000  }
0xea: {  	[sflag:s28] =	ssyncset.done $0x0  }
0xeb: {  	[sflag:s28] =	ssyncadd.s32 $0xFFFFE000  }
0xec: {  	_ =	swait.ge [sflag:s29], $0x2000  }
0xed: {  	[sflag:s29] =	ssyncset.done $0x0  }
0xee: {  	s9 =	simm.s32 $0x100;
	[sflag:s29] =	ssyncadd.s32 $0xFFFFE000  }
0xef: {  	[tilespmem:s15], [sflag:$0x1] =	stream.indirect.gather [hbm4b:s1+s21], $0x80, s9, s21, $0xb8;
	[tilespmem:$0x1ED80] =	vst v63  }
0xf0: {  	s9 =	simm.s32 $0x880  }
0xf1: {  	[spmem:s3] =	stream.indirect.scatter.add.f32 [tilespmem:s19], [sflag:$0x4], $0x80, s9, s21, $0xb8;
	[tilespmem:$0x1ED80] =	vst v63  }
0xf2: {  	s9 =	simm.s32 $0x1080  }
0xf3: {  	[spmem:s4] =	stream.indirect.scatter.add.f32 [tilespmem:s26], [sflag:$0x5], $0x1, s9, s21, $0xb8;
	[tilespmem:$0x1ED80] =	vst v63  }
0xf4: {  	_ =	swait.ge [sflag:s22], $0x2000  }
0xf5: {  	[sflag:s22] =	ssyncset.done $0x0  }
0xf6: {  	[sflag:s22] =	ssyncadd.s32 $0xFFFFE000  }
0xf7: {  	_ =	swait.ge [sflag:s31], $0x2000  }
0xf8: {  	[sflag:s31] =	ssyncset.done $0x0  }
0xf9: {  	s9 =	simm.s32 $0x180;
	[sflag:s31] =	ssyncadd.s32 $0xFFFFE000  }
0xfa: {  	[tilespmem:s19], [sflag:$0x2] =	stream.indirect.gather [hbm4b:s1+s21], $0x80, s9, s21, $0xb8;
	[tilespmem:$0x1ED80] =	vst v63  }
0xfb: {  	s9 =	simm.s32 $0x900  }
0xfc: {  	[spmem:s3] =	stream.indirect.scatter.add.f32 [tilespmem:s15], [sflag:$0x3], $0x80, s9, s21, $0xb8;
	[tilespmem:$0x1ED80] =	vst v63  }
0xfd: {  	s9 =	simm.s32 $0x1100  }
0xfe: {  	[spmem:s4] =	stream.indirect.scatter.add.f32 [tilespmem:s26], [sflag:$0x5], $0x1, s9, s21, $0xb8;
	[tilespmem:$0x1ED80] =	vst v63  }
0xff: {  	_ =	swait.ge [sflag:s28], $0x2000  }
0x100: {  	[sflag:s28] =	ssyncset.done $0x0  }
0x101: {  	[sflag:s28] =	ssyncadd.s32 $0xFFFFE000  }
0x102: {  	_ =	swait.ge [sflag:s29], $0x2000  }
0x103: {  	[sflag:s29] =	ssyncset.done $0x0  }
0x104: {  	s9 =	simm.s32 $0x200;
	[sflag:s29] =	ssyncadd.s32 $0xFFFFE000  }
0x105: {  	[tilespmem:s15], [sflag:$0x1] =	stream.indirect.gather [hbm4b:s1+s21], $0x80, s9, s21, $0xb8;
	[tilespmem:$0x1ED80] =	vst v63  }
0x106: {  	s9 =	simm.s32 $0x980  }
0x107: {  	[spmem:s3] =	stream.indirect.scatter.add.f32 [tilespmem:s19], [sflag:$0x4], $0x80, s9, s21, $0xb8;
	[tilespmem:$0x1ED80] =	vst v63  }
0x108: {  	s9 =	simm.s32 $0x1180  }
0x109: {  	[spmem:s4] =	stream.indirect.scatter.add.f32 [tilespmem:s26], [sflag:$0x5], $0x1, s9, s21, $0xb8;
	[tilespmem:$0x1ED80] =	vst v63  }
0x10a: {  	_ =	swait.ge [sflag:s22], $0x2000  }
0x10b: {  	[sflag:s22] =	ssyncset.done $0x0  }
0x10c: {  	[sflag:s22] =	ssyncadd.s32 $0xFFFFE000  }
0x10d: {  	_ =	swait.ge [sflag:s31], $0x2000  }
0x10e: {  	[sflag:s31] =	ssyncset.done $0x0  }
0x10f: {  	s9 =	simm.s32 $0x280;
	[sflag:s31] =	ssyncadd.s32 $0xFFFFE000  }
0x110: {  	[tilespmem:s19], [sflag:$0x2] =	stream.indirect.gather [hbm4b:s1+s21], $0x80, s9, s21, $0xb8;
	[tilespmem:$0x1ED80] =	vst v63  }
0x111: {  	s9 =	simm.s32 $0xA00  }
0x112: {  	[spmem:s3] =	stream.indirect.scatter.add.f32 [tilespmem:s15], [sflag:$0x3], $0x80, s9, s21, $0xb8;
	[tilespmem:$0x1ED80] =	vst v63  }
0x113: {  	s9 =	simm.s32 $0x1200  }
0x114: {  	[spmem:s4] =	stream.indirect.scatter.add.f32 [tilespmem:s26], [sflag:$0x5], $0x1, s9, s21, $0xb8;
	[tilespmem:$0x1ED80] =	vst v63  }
0x115: {  	_ =	swait.ge [sflag:s28], $0x2000  }
0x116: {  	[sflag:s28] =	ssyncset.done $0x0  }
0x117: {  	[sflag:s28] =	ssyncadd.s32 $0xFFFFE000  }
0x118: {  	_ =	swait.ge [sflag:s29], $0x2000  }
0x119: {  	[sflag:s29] =	ssyncset.done $0x0  }
0x11a: {  	s9 =	simm.s32 $0x300;
	[sflag:s29] =	ssyncadd.s32 $0xFFFFE000  }
0x11b: {  	[tilespmem:s15], [sflag:$0x1] =	stream.indirect.gather [hbm4b:s1+s21], $0x80, s9, s21, $0xb8;
	[tilespmem:$0x1ED80] =	vst v63  }
0x11c: {  	s9 =	simm.s32 $0xA80  }
0x11d: {  	[spmem:s3] =	stream.indirect.scatter.add.f32 [tilespmem:s19], [sflag:$0x4], $0x80, s9, s21, $0xb8;
	[tilespmem:$0x1ED80] =	vst v63  }
0x11e: {  	s9 =	simm.s32 $0x1280  }
0x11f: {  	[spmem:s4] =	stream.indirect.scatter.add.f32 [tilespmem:s26], [sflag:$0x5], $0x1, s9, s21, $0xb8;
	[tilespmem:$0x1ED80] =	vst v63  }
0x120: {  	_ =	swait.ge [sflag:s22], $0x2000  }
0x121: {  	[sflag:s22] =	ssyncset.done $0x0  }
0x122: {  	[sflag:s22] =	ssyncadd.s32 $0xFFFFE000  }
0x123: {  	_ =	swait.ge [sflag:s31], $0x2000  }
0x124: {  	[sflag:s31] =	ssyncset.done $0x0  }
0x125: {  	s9 =	simm.s32 $0x380;
	[sflag:s31] =	ssyncadd.s32 $0xFFFFE000  }
0x126: {  	[tilespmem:s19], [sflag:$0x2] =	stream.indirect.gather [hbm4b:s1+s21], $0x80, s9, s21, $0xb8;
	[tilespmem:$0x1ED80] =	vst v63  }
0x127: {  	s9 =	simm.s32 $0xB00  }
0x128: {  	[spmem:s3] =	stream.indirect.scatter.add.f32 [tilespmem:s15], [sflag:$0x3], $0x80, s9, s21, $0xb8;
	[tilespmem:$0x1ED80] =	vst v63  }
0x129: {  	s9 =	simm.s32 $0x1300  }
0x12a: {  	[spmem:s4] =	stream.indirect.scatter.add.f32 [tilespmem:s26], [sflag:$0x5], $0x1, s9, s21, $0xb8;
	[tilespmem:$0x1ED80] =	vst v63  }
0x12b: {  	_ =	swait.ge [sflag:s28], $0x2000  }
0x12c: {  	[sflag:s28] =	ssyncset.done $0x0  }
0x12d: {  	[sflag:s28] =	ssyncadd.s32 $0xFFFFE000  }
0x12e: {  	_ =	swait.ge [sflag:s29], $0x2000  }
0x12f: {  	[sflag:s29] =	ssyncset.done $0x0  }
0x130: {  	s9 =	simm.s32 $0x400;
	[sflag:s29] =	ssyncadd.s32 $0xFFFFE000  }
0x131: {  	[tilespmem:s15], [sflag:$0x1] =	stream.indirect.gather [hbm4b:s1+s21], $0x80, s9, s21, $0xb8;
	[tilespmem:$0x1ED80] =	vst v63  }
0x132: {  	s9 =	simm.s32 $0xB80  }
0x133: {  	[spmem:s3] =	stream.indirect.scatter.add.f32 [tilespmem:s19], [sflag:$0x4], $0x80, s9, s21, $0xb8;
	[tilespmem:$0x1ED80] =	vst v63  }
0x134: {  	s9 =	simm.s32 $0x1380  }
0x135: {  	[spmem:s4] =	stream.indirect.scatter.add.f32 [tilespmem:s26], [sflag:$0x5], $0x1, s9, s21, $0xb8;
	[tilespmem:$0x1ED80] =	vst v63  }
0x136: {  	_ =	swait.ge [sflag:s22], $0x2000  }
0x137: {  	[sflag:s22] =	ssyncset.done $0x0  }
0x138: {  	[sflag:s22] =	ssyncadd.s32 $0xFFFFE000  }
0x139: {  	_ =	swait.ge [sflag:s31], $0x2000  }
0x13a: {  	[sflag:s31] =	ssyncset.done $0x0  }
0x13b: {  	s9 =	simm.s32 $0x480;
	[sflag:s31] =	ssyncadd.s32 $0xFFFFE000  }
0x13c: {  	[tilespmem:s19], [sflag:$0x2] =	stream.indirect.gather [hbm4b:s1+s21], $0x80, s9, s21, $0xb8;
	[tilespmem:$0x1ED80] =	vst v63  }
0x13d: {  	s9 =	simm.s32 $0xC00  }
0x13e: {  	[spmem:s3] =	stream.indirect.scatter.add.f32 [tilespmem:s15], [sflag:$0x3], $0x80, s9, s21, $0xb8;
	[tilespmem:$0x1ED80] =	vst v63  }
0x13f: {  	s9 =	simm.s32 $0x1400  }
0x140: {  	[spmem:s4] =	stream.indirect.scatter.add.f32 [tilespmem:s26], [sflag:$0x5], $0x1, s9, s21, $0xb8;
	[tilespmem:$0x1ED80] =	vst v63  }
0x141: {  	_ =	swait.ge [sflag:s28], $0x2000  }
0x142: {  	[sflag:s28] =	ssyncset.done $0x0  }
0x143: {  	[sflag:s28] =	ssyncadd.s32 $0xFFFFE000  }
0x144: {  	_ =	swait.ge [sflag:s29], $0x2000  }
0x145: {  	[sflag:s29] =	ssyncset.done $0x0  }
0x146: {  	s9 =	simm.s32 $0x500;
	[sflag:s29] =	ssyncadd.s32 $0xFFFFE000  }
0x147: {  	[tilespmem:s15], [sflag:$0x1] =	stream.indirect.gather [hbm4b:s1+s21], $0x80, s9, s21, $0xb8;
	[tilespmem:$0x1ED80] =	vst v63  }
0x148: {  	s9 =	simm.s32 $0xC80  }
0x149: {  	[spmem:s3] =	stream.indirect.scatter.add.f32 [tilespmem:s19], [sflag:$0x4], $0x80, s9, s21, $0xb8;
	[tilespmem:$0x1ED80] =	vst v63  }
0x14a: {  	s9 =	simm.s32 $0x1480  }
0x14b: {  	[spmem:s4] =	stream.indirect.scatter.add.f32 [tilespmem:s26], [sflag:$0x5], $0x1, s9, s21, $0xb8;
	[tilespmem:$0x1ED80] =	vst v63  }
0x14c: {  	_ =	swait.ge [sflag:s22], $0x2000  }
0x14d: {  	[sflag:s22] =	ssyncset.done $0x0  }
0x14e: {  	[sflag:s22] =	ssyncadd.s32 $0xFFFFE000  }
0x14f: {  	_ =	swait.ge [sflag:s31], $0x2000  }
0x150: {  	[sflag:s31] =	ssyncset.done $0x0  }
0x151: {  	s9 =	simm.s32 $0x580;
	[sflag:s31] =	ssyncadd.s32 $0xFFFFE000  }
0x152: {  	[tilespmem:s19], [sflag:$0x2] =	stream.indirect.gather [hbm4b:s1+s21], $0x80, s9, s21, $0xb8;
	[tilespmem:$0x1ED80] =	vst v63  }
0x153: {  	s9 =	simm.s32 $0xD00  }
0x154: {  	[spmem:s3] =	stream.indirect.scatter.add.f32 [tilespmem:s15], [sflag:$0x3], $0x80, s9, s21, $0xb8;
	[tilespmem:$0x1ED80] =	vst v63  }
0x155: {  	s9 =	simm.s32 $0x1500  }
0x156: {  	[spmem:s4] =	stream.indirect.scatter.add.f32 [tilespmem:s26], [sflag:$0x5], $0x1, s9, s21, $0xb8;
	[tilespmem:$0x1ED80] =	vst v63  }
0x157: {  	_ =	swait.ge [sflag:s28], $0x2000  }
0x158: {  	[sflag:s28] =	ssyncset.done $0x0  }
0x159: {  	[sflag:s28] =	ssyncadd.s32 $0xFFFFE000  }
0x15a: {  	_ =	swait.ge [sflag:s29], $0x2000  }
0x15b: {  	[sflag:s29] =	ssyncset.done $0x0  }
0x15c: {  	s9 =	simm.s32 $0x600;
	[sflag:s29] =	ssyncadd.s32 $0xFFFFE000  }
0x15d: {  	[tilespmem:s15], [sflag:$0x1] =	stream.indirect.gather [hbm4b:s1+s21], $0x80, s9, s21, $0xb8;
	[tilespmem:$0x1ED80] =	vst v63  }
0x15e: {  	s9 =	simm.s32 $0xD80  }
0x15f: {  	[spmem:s3] =	stream.indirect.scatter.add.f32 [tilespmem:s19], [sflag:$0x4], $0x80, s9, s21, $0xb8;
	[tilespmem:$0x1ED80] =	vst v63  }
0x160: {  	s9 =	simm.s32 $0x1580  }
0x161: {  	[spmem:s4] =	stream.indirect.scatter.add.f32 [tilespmem:s26], [sflag:$0x5], $0x1, s9, s21, $0xb8;
	[tilespmem:$0x1ED80] =	vst v63  }
0x162: {  	_ =	swait.ge [sflag:s22], $0x2000  }
0x163: {  	[sflag:s22] =	ssyncset.done $0x0  }
0x164: {  	[sflag:s22] =	ssyncadd.s32 $0xFFFFE000  }
0x165: {  	_ =	swait.ge [sflag:s31], $0x2000  }
0x166: {  	[sflag:s31] =	ssyncset.done $0x0  }
0x167: {  	s9 =	simm.s32 $0x680;
	[sflag:s31] =	ssyncadd.s32 $0xFFFFE000  }
0x168: {  	[tilespmem:s19], [sflag:$0x2] =	stream.indirect.gather [hbm4b:s1+s21], $0x80, s9, s21, $0xb8;
	[tilespmem:$0x1ED80] =	vst v63  }
0x169: {  	s9 =	simm.s32 $0xE00  }
0x16a: {  	[spmem:s3] =	stream.indirect.scatter.add.f32 [tilespmem:s15], [sflag:$0x3], $0x80, s9, s21, $0xb8;
	[tilespmem:$0x1ED80] =	vst v63  }
0x16b: {  	s9 =	simm.s32 $0x1600  }
0x16c: {  	[spmem:s4] =	stream.indirect.scatter.add.f32 [tilespmem:s26], [sflag:$0x5], $0x1, s9, s21, $0xb8;
	[tilespmem:$0x1ED80] =	vst v63  }
0x16d: {  	_ =	swait.ge [sflag:s28], $0x2000  }
0x16e: {  	[sflag:s28] =	ssyncset.done $0x0  }
0x16f: {  	[sflag:s28] =	ssyncadd.s32 $0xFFFFE000  }
0x170: {  	_ =	swait.ge [sflag:s29], $0x2000  }
0x171: {  	[sflag:s29] =	ssyncset.done $0x0  }
0x172: {  	[sflag:s29] =	ssyncadd.s32 $0xFFFFE000  }
0x173: {  	[tilespmem:s15], [sflag:$0x1] =	stream.indirect.gather [hbm4b:s1+s21], $0x80, s10, s21, $0xb8;
	[tilespmem:$0x1ED80] =	vst v63  }
0x174: {  	_ = 	snop  }
0x175: {  	[spmem:s3] =	stream.indirect.scatter.add.f32 [tilespmem:s19], [sflag:$0x4], $0x80, s11, s21, $0xb8;
	[tilespmem:$0x1ED80] =	vst v63  }
0x176: {  	_ = 	snop  }
0x177: {  	[spmem:s4] =	stream.indirect.scatter.add.f32 [tilespmem:s26], [sflag:$0x5], $0x1, s12, s21, $0xb8;
	[tilespmem:$0x1ED80] =	vst v63  }
0x178: {  	_ =	swait.ge [sflag:s22], $0x2000  }
0x179: {  	[sflag:s22] =	ssyncset.done $0x0  }
0x17a: {  	[sflag:s22] =	ssyncadd.s32 $0xFFFFE000  }
0x17b: {  	_ =	swait.ge [sflag:s31], $0x2000  }
0x17c: {  	[sflag:s31] =	ssyncset.done $0x0  }
0x17d: {  	[sflag:s31] =	ssyncadd.s32 $0xFFFFE000  }
0x17e: {  	[tilespmem:s19], [sflag:$0x2] =	stream.indirect.gather [hbm4b:s1+s21], $0x80, s13, s21, $0xb8;
	[tilespmem:$0x1ED80] =	vst v63  }
0x17f: {  	_ = 	snop  }
0x180: {  	[spmem:s3] =	stream.indirect.scatter.add.f32 [tilespmem:s15], [sflag:$0x3], $0x80, s14, s21, $0xb8;
	[tilespmem:$0x1ED80] =	vst v63  }
0x181: {  	_ = 	snop  }
0x182: {  	[spmem:s4] =	stream.indirect.scatter.add.f32 [tilespmem:s26], [sflag:$0x5], $0x1, s6, s21, $0xb8;
	[tilespmem:$0x1ED80] =	vst v63  }
0x183: {  	_ =	swait.ge [sflag:s28], $0x2000  }
0x184: {  	[sflag:s28] =	ssyncset.done $0x0  }
0x185: {  	[sflag:s28] =	ssyncadd.s32 $0xFFFFE000  }
0x186: {  	_ =	swait.ge [sflag:s29], $0x2000  }
0x187: {  	[sflag:s29] =	ssyncset.done $0x0  }
0x188: {  	[sflag:s29] =	ssyncadd.s32 $0xFFFFE000  }
0x189: {  	[spmem:s3] =	stream.indirect.scatter.add.f32 [tilespmem:s19], [sflag:$0x4], $0x80, s7, s21, $0xb8;
	[tilespmem:$0x1ED80] =	vst v63  }
0x18a: {  	_ = 	snop  }
0x18b: {  	[spmem:s4] =	stream.indirect.scatter.add.f32 [tilespmem:s26], [sflag:$0x5], $0x1, s17, s21, $0xb8;
	[tilespmem:$0x1ED80] =	vst v63  }
0x18c: {  	_ =	swait.ge [sflag:s31], $0x2000  }
0x18d: {  	[sflag:s31] =	ssyncset.done $0x0  }
0x18e: {  	[sflag:s31] =	ssyncadd.s32 $0xFFFFE000  }
0x18f: {  	_ =	swait.ge [sflag:s23], $0x40  }
0x190: {  	[sflag:s23] =	ssyncset.done $0x0  }
0x191: {  	[sflag:s23] =	ssyncadd.s32 $0xFFFFFFC0  }
0x192: {  	_ =	swait.ge [sflag:s23], $0x40  }
0x193: {  	[sflag:s23] =	ssyncset.done $0x0  }
0x194: {  	[sflag:s23] =	ssyncadd.s32 $0xFFFFFFC0  }
0x195: {  	_ =	swait.ge [sflag:s23], $0x40  }
0x196: {  	[sflag:s23] =	ssyncset.done $0x0  }
0x197: {  	[sflag:s23] =	ssyncadd.s32 $0xFFFFFFC0  }
0x198: {  	_ =	swait.ge [sflag:s23], $0x40  }
0x199: {  	[sflag:s23] =	ssyncset.done $0x0  }
0x19a: {  	[sflag:s23] =	ssyncadd.s32 $0xFFFFFFC0  }
0x19b: {  	_ =	swait.ge [sflag:s23], $0x40  }
0x19c: {  	[sflag:s23] =	ssyncset.done $0x0  }
0x19d: {  	[sflag:s23] =	ssyncadd.s32 $0xFFFFFFC0  }
0x19e: {  	_ =	swait.ge [sflag:s23], $0x40  }
0x19f: {  	[sflag:s23] =	ssyncset.done $0x0  }
0x1a0: {  	[sflag:s23] =	ssyncadd.s32 $0xFFFFFFC0  }
0x1a1: {  	_ =	swait.ge [sflag:s23], $0x40  }
0x1a2: {  	[sflag:s23] =	ssyncset.done $0x0  }
0x1a3: {  	[sflag:s23] =	ssyncadd.s32 $0xFFFFFFC0  }
0x1a4: {  	_ =	swait.ge [sflag:s23], $0x40  }
0x1a5: {  	[sflag:s23] =	ssyncset.done $0x0  }
0x1a6: {  	[sflag:s23] =	ssyncadd.s32 $0xFFFFFFC0  }
0x1a7: {  	_ =	swait.ge [sflag:s23], $0x40  }
0x1a8: {  	[sflag:s23] =	ssyncset.done $0x0  }
0x1a9: {  	[sflag:s23] =	ssyncadd.s32 $0xFFFFFFC0  }
0x1aa: {  	_ =	swait.ge [sflag:s23], $0x40  }
0x1ab: {  	[sflag:s23] =	ssyncset.done $0x0  }
0x1ac: {  	[sflag:s23] =	ssyncadd.s32 $0xFFFFFFC0  }
0x1ad: {  	_ =	swait.ge [sflag:s23], $0x40  }
0x1ae: {  	[sflag:s23] =	ssyncset.done $0x0  }
0x1af: {  	[sflag:s23] =	ssyncadd.s32 $0xFFFFFFC0  }
0x1b0: {  	_ =	swait.ge [sflag:s23], $0x40  }
0x1b1: {  	[sflag:s23] =	ssyncset.done $0x0  }
0x1b2: {  	[sflag:s23] =	ssyncadd.s32 $0xFFFFFFC0  }
0x1b3: {  	_ =	swait.ge [sflag:s23], $0x40  }
0x1b4: {  	[sflag:s23] =	ssyncset.done $0x0  }
0x1b5: {  	[sflag:s23] =	ssyncadd.s32 $0xFFFFFFC0  }
0x1b6: {  	_ =	swait.ge [sflag:s23], $0x40  }
0x1b7: {  	[sflag:s23] =	ssyncset.done $0x0  }
0x1b8: {  	[sflag:s23] =	ssyncadd.s32 $0xFFFFFFC0  }
0x1b9: {  	_ =	swait.ge [sflag:s23], $0x40  }
.Ltmp7:
0x1ba: {  	[sflag:s23] =	ssyncset.done $0x0;
	(pc) =	sbr.rel .LBB2_8-.Ltmp7, $4  }
0x1bb: {  	[sflag:s23] =	ssyncadd.s32 $0xFFFFFFC0  }
0x1bc: {  	_ =	swait.ge [sflag:s23], $0x40  }
0x1bd: {  	[sflag:s23] =	ssyncset.done $0x0  }
0x1be: {  	[sflag:s23] =	ssyncadd.s32 $0xFFFFFFC0  }
.LBB2_10:
0x1bf: {  	_ =	sfence.sel $0x180000  }
0x1c0: {  	[bflag:$0x0] =	sbarrier.arrive $0xFFFF  }
0x1c1: {  	_ =	strace $0x90000047  }
0x1c2: {  	s0 =	stileid.u32;
	[bflag:$0x2] =	sbarrier.arrive $0xFFFF  }
0x1c3: {  	p0 =	sne.s32 s0, $0x0;
	s0 =	rddreg [dreg:$0x5]  }
0x1c4: {  	s0 =	sadd.s32 @!p0 $0x100000, s0  }
0x1c5: {  	[sflag:s0] =	ssyncadd.tile.s32 @!p0 $0x1;
	_ =	shalt  }
.Lfunc_end2:
_tile_overlayer_lowered:
.L_overlay_start_2:
0x1c6: {  	(tag) =	ssettag $0x2  }
0x1c7: {  	s0 =	rddreg [dreg:$0x0];
	s2 =	stileid.u32  }
0x1c8: {  	s1 =	rddreg [dreg:$0x1];
	p0 =	sne.s32 s2, $0x0  }
0x1c9: {  	s3 =	rddreg [dreg:$0x2];
	[bflag:$0x3] =	sbarrier.arrive $0xFFFF;
	s2 =	simm.s32 @!p0 $0x1C06  }
0x1ca: {  	[timem:s3], [sflag:s2] =	dma.local @!p0 [hbm:s0], s1  }
0x1cb: {  	s0 =	simm.s32 @!p0 $0x6  }
0x1cc: {  	_ =	swait.ge @!p0 [sflag:s0], s1  }
0x1cd: {  	s1 =	ssub.s32 @!p0 $0x0, s1;
	[sflag:s0] =	ssyncset.done @!p0 $0x0  }
0x1ce: {  	[sflag:s0] =	ssyncadd.s32 @!p0 s1  }
0x1cf: {  	[bflag:$0x3] =	sbarrier.arrive $0xFFFF  }
0x1d0: {  	_ =	shalt  }

</sc_bundles>
